<compile_context>
chip_gen: v7x
topology: tpu7x:2x2x1
jax: 0.10.2.dev20260603
libtpu: 0.0.44.dev20260713+nightly
codegen_flags: <defaults>
</compile_context>

<pallas_src>
import functools

import jax
import jax.numpy as jnp
from jax import lax
from jax.experimental import pallas as pl
from jax.experimental.pallas import tpu as pltpu
from jax.experimental.pallas import tpu_sc as plsc

B, S, D = 2, 2048, 768
T = B * S
E = 64
I = 768
BT = 256
P = T + E * BT
NB = P // BT
NBP = 128
ROUTED_SCALING = 1.0


def _silu(v):
    return v / (1.0 + jnp.exp(-v))


def _routing_body(x_ref, wg_ref, dest_ref, cw_ref, be_ref, laux_ref):
    x = x_ref[...]
    wg = wg_ref[...]
    logits = jnp.dot(x, wg, preferred_element_type=jnp.float32)
    m = jnp.max(logits, axis=1, keepdims=True)
    p = jnp.exp(logits - m)
    gates = p / jnp.sum(p, axis=1, keepdims=True)

    gmax = jnp.max(gates, axis=1, keepdims=True)
    lane = lax.broadcasted_iota(jnp.int32, (T, E), 1)
    eidx = jnp.min(jnp.where(gates >= gmax, lane, E), axis=1, keepdims=True)
    oh = (lane == eidx).astype(jnp.float32)

    counts = jnp.sum(oh, axis=0, keepdims=True)
    gsum = jnp.sum(gates, axis=0, keepdims=True)
    laux_ref[0, 0] = (E / (T * T)) * jnp.sum(counts * gsum)

    C = 512
    r = lax.broadcasted_iota(jnp.int32, (C, C), 0)
    c = lax.broadcasted_iota(jnp.int32, (C, C), 1)
    lt = (c < r).astype(jnp.float32)
    pos_chunks = []
    base = jnp.zeros((1, E), jnp.float32)
    for k in range(T // C):
        ohk = oh[k * C:(k + 1) * C]
        within = jnp.dot(lt, ohk, preferred_element_type=jnp.float32)
        pos_chunks.append(jnp.sum((within + base) * ohk, axis=1, keepdims=True))
        base = base + jnp.sum(ohk, axis=0, keepdims=True)
    pos = jnp.concatenate(pos_chunks, axis=0)

    ci = counts.astype(jnp.int32)
    pc = ((ci + (BT - 1)) >> 8) << 8
    pcf = pc.astype(jnp.float32)
    re_ = lax.broadcasted_iota(jnp.int32, (E, E), 0)
    ce_ = lax.broadcasted_iota(jnp.int32, (E, E), 1)
    incl = (re_ <= ce_).astype(jnp.float32)
    cum = jnp.dot(pcf, incl, preferred_element_type=jnp.float32)
    off = cum - pcf

    dest = jnp.sum(oh * off, axis=1, keepdims=True) + pos
    dest_ref[...] = dest.astype(jnp.int32)
    cw_ref[...] = gmax * ROUTED_SCALING

    bi = lax.broadcasted_iota(jnp.int32, (NBP, E), 0) * BT
    cumi = cum.astype(jnp.int32)
    be = jnp.sum((bi >= cumi).astype(jnp.int32), axis=1, keepdims=True)
    be_ref[...] = jnp.minimum(be, E - 1)


_routing_call = pl.pallas_call(
    _routing_body,
    out_shape=(
        jax.ShapeDtypeStruct((T, 1), jnp.int32),
        jax.ShapeDtypeStruct((T, 1), jnp.float32),
        jax.ShapeDtypeStruct((NBP, 1), jnp.int32),
        jax.ShapeDtypeStruct((1, 1), jnp.float32),
    ),
    out_specs=(
        pl.BlockSpec((T, 1), lambda: (0, 0)),
        pl.BlockSpec((T, 1), lambda: (0, 0)),
        pl.BlockSpec((NBP, 1), lambda: (0, 0)),
        pl.BlockSpec(memory_space=pltpu.SMEM),
    ),
)


_NC = 2
_NS = 16
_NW = _NC * _NS
_CHUNK = T // _NW


@functools.cache
def _sc_calls():
    mesh = plsc.VectorSubcoreMesh(core_axis_name="c", subcore_axis_name="s")
    scratch = [
        pltpu.VMEM((_CHUNK,), jnp.int32),
        pltpu.VMEM((_CHUNK, D), jnp.float32),
        pltpu.SemaphoreType.DMA,
    ]

    @functools.partial(
        pl.kernel,
        mesh=mesh,
        out_type=jax.ShapeDtypeStruct((P, D), jnp.float32),
        scratch_types=scratch,
    )
    def dispatch(x_hbm, dest_hbm, out_hbm, idx_v, rows_v, sem):
        wid = lax.axis_index("s") * _NC + lax.axis_index("c")
        base = wid * _CHUNK
        pltpu.sync_copy(dest_hbm.at[pl.ds(base, _CHUNK)], idx_v)
        pltpu.sync_copy(x_hbm.at[pl.ds(base, _CHUNK)], rows_v)
        pltpu.async_copy(rows_v, out_hbm.at[idx_v], sem).wait()

    @functools.partial(
        pl.kernel,
        mesh=mesh,
        out_type=jax.ShapeDtypeStruct((T, D), jnp.float32),
        scratch_types=scratch,
    )
    def combine(ys_hbm, dest_hbm, out_hbm, idx_v, rows_v, sem):
        wid = lax.axis_index("s") * _NC + lax.axis_index("c")
        base = wid * _CHUNK
        pltpu.sync_copy(dest_hbm.at[pl.ds(base, _CHUNK)], idx_v)
        pltpu.async_copy(ys_hbm.at[idx_v], rows_v, sem).wait()
        pltpu.sync_copy(rows_v, out_hbm.at[pl.ds(base, _CHUNK)])

    return dispatch, combine


def _mlp_body(be_ref, xs_ref, gu_ref, dw_ref, ys_ref):
    xb = xs_ref[...]
    h = jnp.dot(xb, gu_ref[0], preferred_element_type=jnp.float32)
    x1 = h[:, :I]
    x2 = h[:, I:]
    act = x1 * _silu(x2)
    ys_ref[...] = jnp.dot(act, dw_ref[0], preferred_element_type=jnp.float32)


_mlp_call = pl.pallas_call(
    _mlp_body,
    grid_spec=pltpu.PrefetchScalarGridSpec(
        num_scalar_prefetch=1,
        grid=(NB,),
        in_specs=[
            pl.BlockSpec((BT, D), lambda i, be: (i, 0)),
            pl.BlockSpec((1, D, 2 * I), lambda i, be: (be[i], 0, 0)),
            pl.BlockSpec((1, I, D), lambda i, be: (be[i], 0, 0)),
        ],
        out_specs=pl.BlockSpec((BT, D), lambda i, be: (i, 0)),
    ),
    out_shape=jax.ShapeDtypeStruct((P, D), jnp.float32),
)


_FB = 512


def _final_body(x_ref, sgu_ref, sdw_ref, yg_ref, cw_ref, out_ref):
    xb = x_ref[...]
    h = jnp.dot(xb, sgu_ref[...], preferred_element_type=jnp.float32)
    s1 = h[:, :I]
    s2 = h[:, I:]
    shared = jnp.dot(s1 * _silu(s2), sdw_ref[...],
                     preferred_element_type=jnp.float32)
    out_ref[...] = shared + cw_ref[...] * yg_ref[...]


_final_call = pl.pallas_call(
    _final_body,
    grid=(T // _FB,),
    in_specs=[
        pl.BlockSpec((_FB, D), lambda i: (i, 0)),
        pl.BlockSpec((D, 2 * I), lambda i: (0, 0)),
        pl.BlockSpec((I, D), lambda i: (0, 0)),
        pl.BlockSpec((_FB, D), lambda i: (i, 0)),
        pl.BlockSpec((_FB, 1), lambda i: (i, 0)),
    ],
    out_specs=pl.BlockSpec((_FB, D), lambda i: (i, 0)),
    out_shape=jax.ShapeDtypeStruct((T, D), jnp.float32),
)


def kernel(x, wg, gate_up_w, down_w, shared_gate_up_w, shared_down_w):
    tokens = x.reshape(T, D).astype(jnp.float32)
    dest2, cw2, be2, laux = _routing_call(tokens, wg)
    dest = dest2.reshape(T)
    be = be2.reshape(NBP)

    sc_dispatch, sc_combine = _sc_calls()
    x_sorted = sc_dispatch(tokens, dest)
    y_sorted = _mlp_call(be, x_sorted, gate_up_w, down_w)
    y_tok = sc_combine(y_sorted, dest)
    out = _final_call(tokens, shared_gate_up_w, shared_down_w, y_tok, cw2)
    return out.reshape(B, S, D), laux[0, 0]

# --- scband reference (transcript-rebuilt; emitter-appended) ---
"""Pipeline reference for scband-hunyuan-mo-e-82764019794350 (READ-ONLY COPY).

The authoritative reference and input builder live on the scoring server;
editing this copy changes nothing except your own understanding.
"""

import jax, jax.numpy as jnp
import numpy as np

B, S, D = 2, 2048, 768
E = 64
TOPK = 1
I_MOE = 768
I_SH = 768  # moe_intermediate_size * num_shared_expert(=1)
ROUTED_SCALING = 1.0


def _silu(v):
    return v * jax.nn.sigmoid(v)


def setup_inputs(seed: int = 0) -> dict:
    key = jax.random.key(seed)
    ks = jax.random.split(key, 6)
    return {
        "x": jax.random.normal(ks[0], (B, S, D), dtype=jnp.float32),
        "wg": jax.random.normal(ks[1], (D, E), dtype=jnp.float32) * 0.02,
        "gate_up_w": jax.random.normal(ks[2], (E, D, 2 * I_MOE), dtype=jnp.float32) * 0.02,
        "down_w": jax.random.normal(ks[3], (E, I_MOE, D), dtype=jnp.float32) * 0.02,
        "shared_gate_up_w": jax.random.normal(ks[4], (D, 2 * I_SH), dtype=jnp.float32) * 0.02,
        "shared_down_w": jax.random.normal(ks[5], (I_SH, D), dtype=jnp.float32) * 0.02,
    }


def _routing(gates):
    # Integer routing state of topkgating (drop_tokens=False).
    T = gates.shape[0]
    expert_gate, expert_index = jax.lax.top_k(gates, TOPK)  # [T, TOPK]
    flat = expert_index.reshape(-1)
    tokens_per_expert = jnp.bincount(flat, length=E)
    dyn_capacity = jnp.max(tokens_per_expert)
    expert_capacity = T  # static upper bound; slot indices never reach T
    ei_t = expert_index.T.reshape(-1)  # [TOPK*T], matches torch transpose(0,1).reshape(-1)
    em = jax.nn.one_hot(ei_t, E, dtype=jnp.int32)
    token_priority = jnp.cumsum(em, axis=0) * em - 1
    token_priority = token_priority.reshape(TOPK, T, E).transpose(1, 0, 2).max(axis=1)  # [T, E]
    valid = jnp.logical_and(token_priority >= 0, token_priority < dyn_capacity)
    token_priority = jnp.where(valid, token_priority, 0)
    tok_idx, exp_idx = jnp.nonzero(valid, size=TOPK * T)
    slot_idx = token_priority[tok_idx, exp_idx]
    return expert_index, expert_capacity, tok_idx, exp_idx, slot_idx


def reference(x, wg, gate_up_w, down_w, shared_gate_up_w, shared_down_w):
    tokens = x.reshape(-1, D).astype(jnp.float32)
    T = tokens.shape[0]
    logits = tokens @ wg
    gates = jax.nn.softmax(logits, axis=1)
    expert_index, capacity, tok_idx, exp_idx, slot_idx = _routing(gates)
    # aux load-balance loss
    expert_mask = jax.nn.one_hot(jnp.asarray(expert_index), E)  # [T, TOPK, E]
    expert_mask_aux = expert_mask.max(axis=-2)
    l_aux = (E ** 2) * jnp.mean(expert_mask_aux.mean(axis=-2) * gates.mean(axis=-2))
    if TOPK > 1:
        gates_s = jnp.maximum(jnp.squeeze(expert_mask @ gates[:, :, None], -1).sum(axis=1, keepdims=True),
                              jnp.finfo(gates.dtype).eps)
        router_probs = gates / gates_s
    else:
        router_probs = gates * ROUTED_SCALING
    combine_w = router_probs[tok_idx, exp_idx]
    # dispatch (sparse scatter, no dense dispatch mask)
    flat_pos = exp_idx * capacity + slot_idx
    disp = jnp.zeros((E * capacity, D), jnp.float32).at[flat_pos].set(tokens[tok_idx])
    disp = disp.reshape(E, capacity, D)
    # expert MLPs (silu gated: x1 * silu(x2))
    h = jnp.einsum('ecd,edf->ecf', disp, gate_up_w)
    x1, x2 = jnp.split(h, 2, axis=-1)
    eout = jnp.einsum('eci,eid->ecd', x1 * _silu(x2), down_w)
    # combine (sparse gather + scatter-add)
    gathered = eout.reshape(E * capacity, D)[flat_pos]
    combined = jnp.zeros((T, D), jnp.float32).at[tok_idx].add(combine_w[:, None] * gathered)
    # shared expert MLP
    gu = tokens @ shared_gate_up_w
    s1, s2 = jnp.split(gu, 2, axis=-1)
    shared_out = (s1 * _silu(s2)) @ shared_down_w
    out = (combined + shared_out).reshape(B, S, D)
    return out, l_aux

if __name__ == "__main__":
    import jax
    _d = setup_inputs()
    print(jax.jit(kernel)(*tuple(_d.values())))

</pallas_src>

<mosaic_0001>
#map = affine_map<(d0, d1) -> (0, 0)>
#map1 = affine_map<(d0, d1) -> (0)>
module attributes {stable_mosaic.version = 14 : i64} {
  func.func @dispatch(%arg0: i32, %arg1: i32, %arg2: memref<4096x768xf32, #tpu.memory_space<hbm>>, %arg3: memref<4096xi32, #tpu.memory_space<hbm>>, %arg4: memref<20480x768xf32, #tpu.memory_space<hbm>>, %arg5: memref<128xi32, #tpu.memory_space<vmem>>, %arg6: memref<128x768xf32, #tpu.memory_space<vmem>>, %arg7: memref<!tpu.dma_semaphore, #tpu.memory_space<semaphore_mem>>) attributes {dimension_semantics = [#tpu.dimension_semantics<core_parallel>, #tpu.dimension_semantics<subcore_parallel>], iteration_bounds = array<i64: 2, 16>, scalar_prefetch = 0 : i64, scratch_operands = 3 : i64, tpu.core_type = #tpu.core_type<sc_vector_subcore>, window_params = [{transform_indices = #map}, {transform_indices = #map1}, {transform_indices = #map}]} {
    %mul3A = arith.constant 2 : i32
    %mul3A_0 = arith.muli %arg1, %mul3A : i32
    %add3A = arith.addi %mul3A_0, %arg0 : i32
    %mul3A_1 = arith.constant 128 : i32
    %mul3A_2 = arith.muli %add3A, %mul3A_1 : i32
    "tpu.region"() ({
      %run_scoped3A = tpu.sem_alloc : memref<!tpu.dma_semaphore, #tpu.memory_space<semaphore_mem>>
      %dma_start3A_7 = tpu.memref_slice %arg3[%mul3A_2] : memref<4096xi32, #tpu.memory_space<hbm>> -> memref<128xi32, #tpu.memory_space<hbm>>
      %dma_start3A_8 = tpu.memref_slice %arg3[%mul3A_2] : memref<4096xi32, #tpu.memory_space<hbm>> -> memref<128xi32, #tpu.memory_space<hbm>>
      tpu.enqueue_dma source(%dma_start3A_8 : memref<128xi32, #tpu.memory_space<hbm>>) target(%arg5 : memref<128xi32, #tpu.memory_space<vmem>>) target_semaphore(%run_scoped3A : memref<!tpu.dma_semaphore, #tpu.memory_space<semaphore_mem>>)
      %dma_wait3A_9 = tpu.memref_slice %arg3[%mul3A_2] : memref<4096xi32, #tpu.memory_space<hbm>> -> memref<128xi32, #tpu.memory_space<hbm>>
      %dma_wait3A_10 = tpu.memref_slice %arg3[%mul3A_2] : memref<4096xi32, #tpu.memory_space<hbm>> -> memref<128xi32, #tpu.memory_space<hbm>>
      tpu.wait_dma2 semaphore(%run_scoped3A : memref<!tpu.dma_semaphore, #tpu.memory_space<semaphore_mem>>) src(%dma_wait3A_10 : memref<128xi32, #tpu.memory_space<hbm>>) dst(%arg5 : memref<128xi32, #tpu.memory_space<vmem>>)
      tpu.yield
    }) : () -> ()
    "tpu.region"() ({
      %run_scoped3A = tpu.sem_alloc : memref<!tpu.dma_semaphore, #tpu.memory_space<semaphore_mem>>
      %dma_start3A_7 = arith.constant 0 : i32
      %dma_start3A_8 = tpu.memref_slice %arg2[%mul3A_2, %dma_start3A_7] : memref<4096x768xf32, #tpu.memory_space<hbm>> -> memref<128x768xf32, #tpu.memory_space<hbm>>
      %dma_start3A_9 = arith.constant 0 : i32
      %dma_start3A_10 = tpu.memref_slice %arg2[%mul3A_2, %dma_start3A_9] : memref<4096x768xf32, #tpu.memory_space<hbm>> -> memref<128x768xf32, #tpu.memory_space<hbm>>
      tpu.enqueue_dma source(%dma_start3A_10 : memref<128x768xf32, #tpu.memory_space<hbm>>) target(%arg6 : memref<128x768xf32, #tpu.memory_space<vmem>>) target_semaphore(%run_scoped3A : memref<!tpu.dma_semaphore, #tpu.memory_space<semaphore_mem>>)
      %dma_wait3A_11 = arith.constant 0 : i32
      %dma_wait3A_12 = tpu.memref_slice %arg2[%mul3A_2, %dma_wait3A_11] : memref<4096x768xf32, #tpu.memory_space<hbm>> -> memref<128x768xf32, #tpu.memory_space<hbm>>
      %dma_wait3A_13 = arith.constant 0 : i32
      %dma_wait3A_14 = tpu.memref_slice %arg2[%mul3A_2, %dma_wait3A_13] : memref<4096x768xf32, #tpu.memory_space<hbm>> -> memref<128x768xf32, #tpu.memory_space<hbm>>
      tpu.wait_dma2 semaphore(%run_scoped3A : memref<!tpu.dma_semaphore, #tpu.memory_space<semaphore_mem>>) src(%dma_wait3A_14 : memref<128x768xf32, #tpu.memory_space<hbm>>) dst(%arg6 : memref<128x768xf32, #tpu.memory_space<vmem>>)
      tpu.yield
    }) : () -> ()
    %dma_start3A = arith.constant 0 : i32
    %dma_start3A_3 = arith.constant 0 : i32
    %dma_start3A_4 = tpu.memref_slice %arg4[%dma_start3A, %dma_start3A_3] : memref<20480x768xf32, #tpu.memory_space<hbm>> -> memref<20480x768xf32, #tpu.memory_space<hbm>>
    tpu.enqueue_indirect_dma source(%arg6 : memref<128x768xf32, #tpu.memory_space<vmem>>) target(%dma_start3A_4 : memref<20480x768xf32, #tpu.memory_space<hbm>>) offsets(%arg5 : memref<128xi32, #tpu.memory_space<vmem>>) semaphore(%arg7 : memref<!tpu.dma_semaphore, #tpu.memory_space<semaphore_mem>>)
    %dma_wait3A = arith.constant 0 : i32
    %dma_wait3A_5 = arith.constant 0 : i32
    %dma_wait3A_6 = tpu.memref_slice %arg4[%dma_wait3A, %dma_wait3A_5] : memref<20480x768xf32, #tpu.memory_space<hbm>> -> memref<20480x768xf32, #tpu.memory_space<hbm>>
    tpu.wait_indirect_dma semaphore(%arg7 : memref<!tpu.dma_semaphore, #tpu.memory_space<semaphore_mem>>) src(%arg6 : memref<128x768xf32, #tpu.memory_space<vmem>>) dst(%dma_wait3A_6 : memref<20480x768xf32, #tpu.memory_space<hbm>>)
    return
  }
}

#map = affine_map<(d0, d1) -> (0, 0)>
#map1 = affine_map<(d0, d1) -> (0)>
module attributes {stable_mosaic.version = 14 : i64} {
  func.func @combine(%arg0: i32, %arg1: i32, %arg2: memref<20480x768xf32, #tpu.memory_space<hbm>>, %arg3: memref<4096xi32, #tpu.memory_space<hbm>>, %arg4: memref<4096x768xf32, #tpu.memory_space<hbm>>, %arg5: memref<128xi32, #tpu.memory_space<vmem>>, %arg6: memref<128x768xf32, #tpu.memory_space<vmem>>, %arg7: memref<!tpu.dma_semaphore, #tpu.memory_space<semaphore_mem>>) attributes {dimension_semantics = [#tpu.dimension_semantics<core_parallel>, #tpu.dimension_semantics<subcore_parallel>], iteration_bounds = array<i64: 2, 16>, scalar_prefetch = 0 : i64, scratch_operands = 3 : i64, tpu.core_type = #tpu.core_type<sc_vector_subcore>, window_params = [{transform_indices = #map}, {transform_indices = #map1}, {transform_indices = #map}]} {
    %mul3A = arith.constant 2 : i32
    %mul3A_0 = arith.muli %arg1, %mul3A : i32
    %add3A = arith.addi %mul3A_0, %arg0 : i32
    %mul3A_1 = arith.constant 128 : i32
    %mul3A_2 = arith.muli %add3A, %mul3A_1 : i32
    "tpu.region"() ({
      %run_scoped3A = tpu.sem_alloc : memref<!tpu.dma_semaphore, #tpu.memory_space<semaphore_mem>>
      %dma_start3A_7 = tpu.memref_slice %arg3[%mul3A_2] : memref<4096xi32, #tpu.memory_space<hbm>> -> memref<128xi32, #tpu.memory_space<hbm>>
      %dma_start3A_8 = tpu.memref_slice %arg3[%mul3A_2] : memref<4096xi32, #tpu.memory_space<hbm>> -> memref<128xi32, #tpu.memory_space<hbm>>
      tpu.enqueue_dma source(%dma_start3A_8 : memref<128xi32, #tpu.memory_space<hbm>>) target(%arg5 : memref<128xi32, #tpu.memory_space<vmem>>) target_semaphore(%run_scoped3A : memref<!tpu.dma_semaphore, #tpu.memory_space<semaphore_mem>>)
      %dma_wait3A_9 = tpu.memref_slice %arg3[%mul3A_2] : memref<4096xi32, #tpu.memory_space<hbm>> -> memref<128xi32, #tpu.memory_space<hbm>>
      %dma_wait3A_10 = tpu.memref_slice %arg3[%mul3A_2] : memref<4096xi32, #tpu.memory_space<hbm>> -> memref<128xi32, #tpu.memory_space<hbm>>
      tpu.wait_dma2 semaphore(%run_scoped3A : memref<!tpu.dma_semaphore, #tpu.memory_space<semaphore_mem>>) src(%dma_wait3A_10 : memref<128xi32, #tpu.memory_space<hbm>>) dst(%arg5 : memref<128xi32, #tpu.memory_space<vmem>>)
      tpu.yield
    }) : () -> ()
    %dma_start3A = arith.constant 0 : i32
    %dma_start3A_3 = arith.constant 0 : i32
    %dma_start3A_4 = tpu.memref_slice %arg2[%dma_start3A, %dma_start3A_3] : memref<20480x768xf32, #tpu.memory_space<hbm>> -> memref<20480x768xf32, #tpu.memory_space<hbm>>
    tpu.enqueue_indirect_dma source(%dma_start3A_4 : memref<20480x768xf32, #tpu.memory_space<hbm>>) target(%arg6 : memref<128x768xf32, #tpu.memory_space<vmem>>) offsets(%arg5 : memref<128xi32, #tpu.memory_space<vmem>>) semaphore(%arg7 : memref<!tpu.dma_semaphore, #tpu.memory_space<semaphore_mem>>)
    %dma_wait3A = arith.constant 0 : i32
    %dma_wait3A_5 = arith.constant 0 : i32
    %dma_wait3A_6 = tpu.memref_slice %arg2[%dma_wait3A, %dma_wait3A_5] : memref<20480x768xf32, #tpu.memory_space<hbm>> -> memref<20480x768xf32, #tpu.memory_space<hbm>>
    tpu.wait_indirect_dma semaphore(%arg7 : memref<!tpu.dma_semaphore, #tpu.memory_space<semaphore_mem>>) src(%dma_wait3A_6 : memref<20480x768xf32, #tpu.memory_space<hbm>>) dst(%arg6 : memref<128x768xf32, #tpu.memory_space<vmem>>)
    "tpu.region"() ({
      %run_scoped3A = tpu.sem_alloc : memref<!tpu.dma_semaphore, #tpu.memory_space<semaphore_mem>>
      %dma_start3A_7 = arith.constant 0 : i32
      %dma_start3A_8 = tpu.memref_slice %arg4[%mul3A_2, %dma_start3A_7] : memref<4096x768xf32, #tpu.memory_space<hbm>> -> memref<128x768xf32, #tpu.memory_space<hbm>>
      %dma_start3A_9 = arith.constant 0 : i32
      %dma_start3A_10 = tpu.memref_slice %arg4[%mul3A_2, %dma_start3A_9] : memref<4096x768xf32, #tpu.memory_space<hbm>> -> memref<128x768xf32, #tpu.memory_space<hbm>>
      tpu.enqueue_dma source(%arg6 : memref<128x768xf32, #tpu.memory_space<vmem>>) target(%dma_start3A_10 : memref<128x768xf32, #tpu.memory_space<hbm>>) target_semaphore(%run_scoped3A : memref<!tpu.dma_semaphore, #tpu.memory_space<semaphore_mem>>)
      %dma_wait3A_11 = arith.constant 0 : i32
      %dma_wait3A_12 = tpu.memref_slice %arg4[%mul3A_2, %dma_wait3A_11] : memref<4096x768xf32, #tpu.memory_space<hbm>> -> memref<128x768xf32, #tpu.memory_space<hbm>>
      %dma_wait3A_13 = arith.constant 0 : i32
      %dma_wait3A_14 = tpu.memref_slice %arg4[%mul3A_2, %dma_wait3A_13] : memref<4096x768xf32, #tpu.memory_space<hbm>> -> memref<128x768xf32, #tpu.memory_space<hbm>>
      tpu.wait_dma2 semaphore(%run_scoped3A : memref<!tpu.dma_semaphore, #tpu.memory_space<semaphore_mem>>) src(%arg6 : memref<128x768xf32, #tpu.memory_space<vmem>>) dst(%dma_wait3A_14 : memref<128x768xf32, #tpu.memory_space<hbm>>)
      tpu.yield
    }) : () -> ()
    return
  }
}

module attributes {stable_mosaic.version = 14 : i64} {
  func.func @_routing_body(%arg0: memref<4096x768xf32, #tpu.memory_space<vmem>>, %arg1: memref<768x64xf32, #tpu.memory_space<vmem>>, %arg2: memref<4096x1xi32, #tpu.memory_space<vmem>>, %arg3: memref<4096x1xf32, #tpu.memory_space<vmem>>, %arg4: memref<128x1xi32, #tpu.memory_space<vmem>>, %arg5: memref<1x1xf32, #tpu.memory_space<smem>>) attributes {dimension_semantics = [], scalar_prefetch = 0 : i64, scratch_operands = 0 : i64, tpu.core_type = #tpu.core_type<tc>} {
    %get3A = arith.constant 0 : index
    %get3A_0 = arith.constant 0 : index
    %get3A_1 = vector.load %arg0[%get3A, %get3A_0] : memref<4096x768xf32, #tpu.memory_space<vmem>>, vector<4096x768xf32>
    %get3A_2 = arith.constant 0 : index
    %get3A_3 = arith.constant 0 : index
    %get3A_4 = vector.load %arg1[%get3A_2, %get3A_3] : memref<768x64xf32, #tpu.memory_space<vmem>>, vector<768x64xf32>
    %dot_general3A = arith.constant dense<0.000000e+00> : vector<4096x64xf32>
    %dot_general3A_5 = tpu.matmul %get3A_1, %get3A_4, %dot_general3A {dimension_numbers = #tpu.dot_dimension_numbers<[1], [0], [0], [1], [0, 0, 1, 1], [], []>, transpose_lhs_hint = false} : vector<4096x768xf32>, vector<768x64xf32>, vector<4096x64xf32> -> vector<4096x64xf32>
    %reduce_max3A = arith.constant dense<0xFF800000> : vector<4096xf32>
    %reduce_max3A_6 = vector.multi_reduction <maximumf>, %dot_general3A_5, %reduce_max3A [1] : vector<4096x64xf32> to vector<4096xf32>
    %broadcast_in_dim3A = vector.shape_cast %reduce_max3A_6 : vector<4096xf32> to vector<4096x1xf32>
    %sub3A = vector.broadcast %broadcast_in_dim3A : vector<4096x1xf32> to vector<4096x64xf32>
    %sub3A_7 = arith.subf %dot_general3A_5, %sub3A : vector<4096x64xf32>
    %exp3A = math.exp %sub3A_7 : vector<4096x64xf32>
    %reduce_sum3A = arith.constant dense<0.000000e+00> : vector<4096xf32>
    %reduce_sum3A_8 = vector.multi_reduction <add>, %exp3A, %reduce_sum3A [1] : vector<4096x64xf32> to vector<4096xf32>
    %broadcast_in_dim3A_9 = vector.shape_cast %reduce_sum3A_8 : vector<4096xf32> to vector<4096x1xf32>
    %div3A = vector.broadcast %broadcast_in_dim3A_9 : vector<4096x1xf32> to vector<4096x64xf32>
    %div3A_10 = arith.divf %exp3A, %div3A : vector<4096x64xf32>
    %reduce_max3A_11 = arith.constant dense<0xFF800000> : vector<4096xf32>
    %reduce_max3A_12 = vector.multi_reduction <maximumf>, %div3A_10, %reduce_max3A_11 [1] : vector<4096x64xf32> to vector<4096xf32>
    %broadcast_in_dim3A_13 = vector.shape_cast %reduce_max3A_12 : vector<4096xf32> to vector<4096x1xf32>
    %iota3A = tpu.iota {dimensions = array<i32: 1>} : vector<4096x64xi32>
    %ge3A = vector.broadcast %broadcast_in_dim3A_13 : vector<4096x1xf32> to vector<4096x64xf32>
    %ge3A_14 = arith.cmpf oge, %div3A_10, %ge3A : vector<4096x64xf32>
    %jit3A = arith.constant 64 : i32
    %broadcast_in_dim3A_15 = vector.broadcast %jit3A : i32 to vector<4096x64xi32>
    %select_n3A = arith.select %ge3A_14, %iota3A, %broadcast_in_dim3A_15 : vector<4096x64xi1>, vector<4096x64xi32>
    %reduce_min3A = arith.constant dense<2147483647> : vector<4096xi32>
    %reduce_min3A_16 = vector.multi_reduction <minsi>, %select_n3A, %reduce_min3A [1] : vector<4096x64xi32> to vector<4096xi32>
    %broadcast_in_dim3A_17 = vector.shape_cast %reduce_min3A_16 : vector<4096xi32> to vector<4096x1xi32>
    %eq3A = vector.broadcast %broadcast_in_dim3A_17 : vector<4096x1xi32> to vector<4096x64xi32>
    %eq3A_18 = arith.cmpi eq, %iota3A, %eq3A : vector<4096x64xi32>
    %convert_element_type3A = arith.extui %eq3A_18 : vector<4096x64xi1> to vector<4096x64xi32>
    %convert_element_type3A_19 = arith.sitofp %convert_element_type3A : vector<4096x64xi32> to vector<4096x64xf32>
    %reduce_sum3A_20 = arith.constant dense<0.000000e+00> : vector<64xf32>
    %reduce_sum3A_21 = vector.multi_reduction <add>, %convert_element_type3A_19, %reduce_sum3A_20 [0] : vector<4096x64xf32> to vector<64xf32>
    %broadcast_in_dim3A_22 = vector.shape_cast %reduce_sum3A_21 : vector<64xf32> to vector<1x64xf32>
    %reduce_sum3A_23 = arith.constant dense<0.000000e+00> : vector<64xf32>
    %reduce_sum3A_24 = vector.multi_reduction <add>, %div3A_10, %reduce_sum3A_23 [0] : vector<4096x64xf32> to vector<64xf32>
    %broadcast_in_dim3A_25 = vector.shape_cast %reduce_sum3A_24 : vector<64xf32> to vector<1x64xf32>
    %mul3A = arith.mulf %broadcast_in_dim3A_22, %broadcast_in_dim3A_25 : vector<1x64xf32>
    %reduce_sum3A_26 = vector.shape_cast %mul3A : vector<1x64xf32> to vector<1x1x64xf32>
    %reduce_sum3A_27 = arith.constant dense<0.000000e+00> : vector<1xf32>
    %reduce_sum3A_28 = vector.multi_reduction <add>, %reduce_sum3A_26, %reduce_sum3A_27 [1, 2] : vector<1x1x64xf32> to vector<1xf32>
    %reduce_sum3A_29 = vector.shape_cast %reduce_sum3A_28 : vector<1xf32> to vector<1x1x1xf32>
    %reduce_sum3A_30 = vector.extract %reduce_sum3A_29[0, 0, 0] : f32 from vector<1x1x1xf32>
    %mul3A_31 = arith.constant 3.81469727E-6 : f32
    %mul3A_32 = arith.mulf %mul3A_31, %reduce_sum3A_30 : f32
    %swap3A = arith.constant 0 : index
    %swap3A_33 = arith.constant 0 : index
    %swap3A_34 = memref.load %arg5[%swap3A, %swap3A_33] : memref<1x1xf32, #tpu.memory_space<smem>>
    memref.store %mul3A_32, %arg5[%swap3A, %swap3A_33] : memref<1x1xf32, #tpu.memory_space<smem>>
    %iota3A_35 = tpu.iota {dimensions = array<i32: 0>} : vector<512x512xi32>
    %iota3A_36 = tpu.iota {dimensions = array<i32: 1>} : vector<512x512xi32>
    %lt3A = arith.cmpi slt, %iota3A_36, %iota3A_35 : vector<512x512xi32>
    %convert_element_type3A_37 = arith.extui %lt3A : vector<512x512xi1> to vector<512x512xi32>
    %convert_element_type3A_38 = arith.sitofp %convert_element_type3A_37 : vector<512x512xi32> to vector<512x512xf32>
    %broadcast_in_dim3A_39 = arith.constant 0.000000e+00 : f32
    %broadcast_in_dim3A_40 = vector.broadcast %broadcast_in_dim3A_39 : f32 to vector<1x64xf32>
    %slice3A = vector.extract_strided_slice %convert_element_type3A_19 {offsets = [0, 0], sizes = [512, 64], strides = [1, 1]} : vector<4096x64xf32> to vector<512x64xf32>
    %dot_general3A_41 = arith.constant dense<0.000000e+00> : vector<512x64xf32>
    %dot_general3A_42 = tpu.matmul %convert_element_type3A_38, %slice3A, %dot_general3A_41 {dimension_numbers = #tpu.dot_dimension_numbers<[1], [0], [0], [1], [0, 0, 1, 1], [], []>, transpose_lhs_hint = false} : vector<512x512xf32>, vector<512x64xf32>, vector<512x64xf32> -> vector<512x64xf32>
    %add3A = vector.broadcast %broadcast_in_dim3A_40 : vector<1x64xf32> to vector<512x64xf32>
    %add3A_43 = arith.addf %dot_general3A_42, %add3A : vector<512x64xf32>
    %mul3A_44 = arith.mulf %add3A_43, %slice3A : vector<512x64xf32>
    %reduce_sum3A_45 = arith.constant dense<0.000000e+00> : vector<512xf32>
    %reduce_sum3A_46 = vector.multi_reduction <add>, %mul3A_44, %reduce_sum3A_45 [1] : vector<512x64xf32> to vector<512xf32>
    %broadcast_in_dim3A_47 = vector.shape_cast %reduce_sum3A_46 : vector<512xf32> to vector<512x1xf32>
    %reduce_sum3A_48 = arith.constant dense<0.000000e+00> : vector<64xf32>
    %reduce_sum3A_49 = vector.multi_reduction <add>, %slice3A, %reduce_sum3A_48 [0] : vector<512x64xf32> to vector<64xf32>
    %broadcast_in_dim3A_50 = vector.shape_cast %reduce_sum3A_49 : vector<64xf32> to vector<1x64xf32>
    %add3A_51 = arith.addf %broadcast_in_dim3A_40, %broadcast_in_dim3A_50 : vector<1x64xf32>
    %slice3A_52 = vector.extract_strided_slice %convert_element_type3A_19 {offsets = [512, 0], sizes = [512, 64], strides = [1, 1]} : vector<4096x64xf32> to vector<512x64xf32>
    %dot_general3A_53 = arith.constant dense<0.000000e+00> : vector<512x64xf32>
    %dot_general3A_54 = tpu.matmul %convert_element_type3A_38, %slice3A_52, %dot_general3A_53 {dimension_numbers = #tpu.dot_dimension_numbers<[1], [0], [0], [1], [0, 0, 1, 1], [], []>, transpose_lhs_hint = false} : vector<512x512xf32>, vector<512x64xf32>, vector<512x64xf32> -> vector<512x64xf32>
    %add3A_55 = vector.broadcast %add3A_51 : vector<1x64xf32> to vector<512x64xf32>
    %add3A_56 = arith.addf %dot_general3A_54, %add3A_55 : vector<512x64xf32>
    %mul3A_57 = arith.mulf %add3A_56, %slice3A_52 : vector<512x64xf32>
    %reduce_sum3A_58 = arith.constant dense<0.000000e+00> : vector<512xf32>
    %reduce_sum3A_59 = vector.multi_reduction <add>, %mul3A_57, %reduce_sum3A_58 [1] : vector<512x64xf32> to vector<512xf32>
    %broadcast_in_dim3A_60 = vector.shape_cast %reduce_sum3A_59 : vector<512xf32> to vector<512x1xf32>
    %reduce_sum3A_61 = arith.constant dense<0.000000e+00> : vector<64xf32>
    %reduce_sum3A_62 = vector.multi_reduction <add>, %slice3A_52, %reduce_sum3A_61 [0] : vector<512x64xf32> to vector<64xf32>
    %broadcast_in_dim3A_63 = vector.shape_cast %reduce_sum3A_62 : vector<64xf32> to vector<1x64xf32>
    %add3A_64 = arith.addf %add3A_51, %broadcast_in_dim3A_63 : vector<1x64xf32>
    %slice3A_65 = vector.extract_strided_slice %convert_element_type3A_19 {offsets = [1024, 0], sizes = [512, 64], strides = [1, 1]} : vector<4096x64xf32> to vector<512x64xf32>
    %dot_general3A_66 = arith.constant dense<0.000000e+00> : vector<512x64xf32>
    %dot_general3A_67 = tpu.matmul %convert_element_type3A_38, %slice3A_65, %dot_general3A_66 {dimension_numbers = #tpu.dot_dimension_numbers<[1], [0], [0], [1], [0, 0, 1, 1], [], []>, transpose_lhs_hint = false} : vector<512x512xf32>, vector<512x64xf32>, vector<512x64xf32> -> vector<512x64xf32>
    %add3A_68 = vector.broadcast %add3A_64 : vector<1x64xf32> to vector<512x64xf32>
    %add3A_69 = arith.addf %dot_general3A_67, %add3A_68 : vector<512x64xf32>
    %mul3A_70 = arith.mulf %add3A_69, %slice3A_65 : vector<512x64xf32>
    %reduce_sum3A_71 = arith.constant dense<0.000000e+00> : vector<512xf32>
    %reduce_sum3A_72 = vector.multi_reduction <add>, %mul3A_70, %reduce_sum3A_71 [1] : vector<512x64xf32> to vector<512xf32>
    %broadcast_in_dim3A_73 = vector.shape_cast %reduce_sum3A_72 : vector<512xf32> to vector<512x1xf32>
    %reduce_sum3A_74 = arith.constant dense<0.000000e+00> : vector<64xf32>
    %reduce_sum3A_75 = vector.multi_reduction <add>, %slice3A_65, %reduce_sum3A_74 [0] : vector<512x64xf32> to vector<64xf32>
    %broadcast_in_dim3A_76 = vector.shape_cast %reduce_sum3A_75 : vector<64xf32> to vector<1x64xf32>
    %add3A_77 = arith.addf %add3A_64, %broadcast_in_dim3A_76 : vector<1x64xf32>
    %slice3A_78 = vector.extract_strided_slice %convert_element_type3A_19 {offsets = [1536, 0], sizes = [512, 64], strides = [1, 1]} : vector<4096x64xf32> to vector<512x64xf32>
    %dot_general3A_79 = arith.constant dense<0.000000e+00> : vector<512x64xf32>
    %dot_general3A_80 = tpu.matmul %convert_element_type3A_38, %slice3A_78, %dot_general3A_79 {dimension_numbers = #tpu.dot_dimension_numbers<[1], [0], [0], [1], [0, 0, 1, 1], [], []>, transpose_lhs_hint = false} : vector<512x512xf32>, vector<512x64xf32>, vector<512x64xf32> -> vector<512x64xf32>
    %add3A_81 = vector.broadcast %add3A_77 : vector<1x64xf32> to vector<512x64xf32>
    %add3A_82 = arith.addf %dot_general3A_80, %add3A_81 : vector<512x64xf32>
    %mul3A_83 = arith.mulf %add3A_82, %slice3A_78 : vector<512x64xf32>
    %reduce_sum3A_84 = arith.constant dense<0.000000e+00> : vector<512xf32>
    %reduce_sum3A_85 = vector.multi_reduction <add>, %mul3A_83, %reduce_sum3A_84 [1] : vector<512x64xf32> to vector<512xf32>
    %broadcast_in_dim3A_86 = vector.shape_cast %reduce_sum3A_85 : vector<512xf32> to vector<512x1xf32>
    %reduce_sum3A_87 = arith.constant dense<0.000000e+00> : vector<64xf32>
    %reduce_sum3A_88 = vector.multi_reduction <add>, %slice3A_78, %reduce_sum3A_87 [0] : vector<512x64xf32> to vector<64xf32>
    %broadcast_in_dim3A_89 = vector.shape_cast %reduce_sum3A_88 : vector<64xf32> to vector<1x64xf32>
    %add3A_90 = arith.addf %add3A_77, %broadcast_in_dim3A_89 : vector<1x64xf32>
    %slice3A_91 = vector.extract_strided_slice %convert_element_type3A_19 {offsets = [2048, 0], sizes = [512, 64], strides = [1, 1]} : vector<4096x64xf32> to vector<512x64xf32>
    %dot_general3A_92 = arith.constant dense<0.000000e+00> : vector<512x64xf32>
    %dot_general3A_93 = tpu.matmul %convert_element_type3A_38, %slice3A_91, %dot_general3A_92 {dimension_numbers = #tpu.dot_dimension_numbers<[1], [0], [0], [1], [0, 0, 1, 1], [], []>, transpose_lhs_hint = false} : vector<512x512xf32>, vector<512x64xf32>, vector<512x64xf32> -> vector<512x64xf32>
    %add3A_94 = vector.broadcast %add3A_90 : vector<1x64xf32> to vector<512x64xf32>
    %add3A_95 = arith.addf %dot_general3A_93, %add3A_94 : vector<512x64xf32>
    %mul3A_96 = arith.mulf %add3A_95, %slice3A_91 : vector<512x64xf32>
    %reduce_sum3A_97 = arith.constant dense<0.000000e+00> : vector<512xf32>
    %reduce_sum3A_98 = vector.multi_reduction <add>, %mul3A_96, %reduce_sum3A_97 [1] : vector<512x64xf32> to vector<512xf32>
    %broadcast_in_dim3A_99 = vector.shape_cast %reduce_sum3A_98 : vector<512xf32> to vector<512x1xf32>
    %reduce_sum3A_100 = arith.constant dense<0.000000e+00> : vector<64xf32>
    %reduce_sum3A_101 = vector.multi_reduction <add>, %slice3A_91, %reduce_sum3A_100 [0] : vector<512x64xf32> to vector<64xf32>
    %broadcast_in_dim3A_102 = vector.shape_cast %reduce_sum3A_101 : vector<64xf32> to vector<1x64xf32>
    %add3A_103 = arith.addf %add3A_90, %broadcast_in_dim3A_102 : vector<1x64xf32>
    %slice3A_104 = vector.extract_strided_slice %convert_element_type3A_19 {offsets = [2560, 0], sizes = [512, 64], strides = [1, 1]} : vector<4096x64xf32> to vector<512x64xf32>
    %dot_general3A_105 = arith.constant dense<0.000000e+00> : vector<512x64xf32>
    %dot_general3A_106 = tpu.matmul %convert_element_type3A_38, %slice3A_104, %dot_general3A_105 {dimension_numbers = #tpu.dot_dimension_numbers<[1], [0], [0], [1], [0, 0, 1, 1], [], []>, transpose_lhs_hint = false} : vector<512x512xf32>, vector<512x64xf32>, vector<512x64xf32> -> vector<512x64xf32>
    %add3A_107 = vector.broadcast %add3A_103 : vector<1x64xf32> to vector<512x64xf32>
    %add3A_108 = arith.addf %dot_general3A_106, %add3A_107 : vector<512x64xf32>
    %mul3A_109 = arith.mulf %add3A_108, %slice3A_104 : vector<512x64xf32>
    %reduce_sum3A_110 = arith.constant dense<0.000000e+00> : vector<512xf32>
    %reduce_sum3A_111 = vector.multi_reduction <add>, %mul3A_109, %reduce_sum3A_110 [1] : vector<512x64xf32> to vector<512xf32>
    %broadcast_in_dim3A_112 = vector.shape_cast %reduce_sum3A_111 : vector<512xf32> to vector<512x1xf32>
    %reduce_sum3A_113 = arith.constant dense<0.000000e+00> : vector<64xf32>
    %reduce_sum3A_114 = vector.multi_reduction <add>, %slice3A_104, %reduce_sum3A_113 [0] : vector<512x64xf32> to vector<64xf32>
    %broadcast_in_dim3A_115 = vector.shape_cast %reduce_sum3A_114 : vector<64xf32> to vector<1x64xf32>
    %add3A_116 = arith.addf %add3A_103, %broadcast_in_dim3A_115 : vector<1x64xf32>
    %slice3A_117 = vector.extract_strided_slice %convert_element_type3A_19 {offsets = [3072, 0], sizes = [512, 64], strides = [1, 1]} : vector<4096x64xf32> to vector<512x64xf32>
    %dot_general3A_118 = arith.constant dense<0.000000e+00> : vector<512x64xf32>
    %dot_general3A_119 = tpu.matmul %convert_element_type3A_38, %slice3A_117, %dot_general3A_118 {dimension_numbers = #tpu.dot_dimension_numbers<[1], [0], [0], [1], [0, 0, 1, 1], [], []>, transpose_lhs_hint = false} : vector<512x512xf32>, vector<512x64xf32>, vector<512x64xf32> -> vector<512x64xf32>
    %add3A_120 = vector.broadcast %add3A_116 : vector<1x64xf32> to vector<512x64xf32>
    %add3A_121 = arith.addf %dot_general3A_119, %add3A_120 : vector<512x64xf32>
    %mul3A_122 = arith.mulf %add3A_121, %slice3A_117 : vector<512x64xf32>
    %reduce_sum3A_123 = arith.constant dense<0.000000e+00> : vector<512xf32>
    %reduce_sum3A_124 = vector.multi_reduction <add>, %mul3A_122, %reduce_sum3A_123 [1] : vector<512x64xf32> to vector<512xf32>
    %broadcast_in_dim3A_125 = vector.shape_cast %reduce_sum3A_124 : vector<512xf32> to vector<512x1xf32>
    %reduce_sum3A_126 = arith.constant dense<0.000000e+00> : vector<64xf32>
    %reduce_sum3A_127 = vector.multi_reduction <add>, %slice3A_117, %reduce_sum3A_126 [0] : vector<512x64xf32> to vector<64xf32>
    %broadcast_in_dim3A_128 = vector.shape_cast %reduce_sum3A_127 : vector<64xf32> to vector<1x64xf32>
    %add3A_129 = arith.addf %add3A_116, %broadcast_in_dim3A_128 : vector<1x64xf32>
    %slice3A_130 = vector.extract_strided_slice %convert_element_type3A_19 {offsets = [3584, 0], sizes = [512, 64], strides = [1, 1]} : vector<4096x64xf32> to vector<512x64xf32>
    %dot_general3A_131 = arith.constant dense<0.000000e+00> : vector<512x64xf32>
    %dot_general3A_132 = tpu.matmul %convert_element_type3A_38, %slice3A_130, %dot_general3A_131 {dimension_numbers = #tpu.dot_dimension_numbers<[1], [0], [0], [1], [0, 0, 1, 1], [], []>, transpose_lhs_hint = false} : vector<512x512xf32>, vector<512x64xf32>, vector<512x64xf32> -> vector<512x64xf32>
    %add3A_133 = vector.broadcast %add3A_129 : vector<1x64xf32> to vector<512x64xf32>
    %add3A_134 = arith.addf %dot_general3A_132, %add3A_133 : vector<512x64xf32>
    %mul3A_135 = arith.mulf %add3A_134, %slice3A_130 : vector<512x64xf32>
    %reduce_sum3A_136 = arith.constant dense<0.000000e+00> : vector<512xf32>
    %reduce_sum3A_137 = vector.multi_reduction <add>, %mul3A_135, %reduce_sum3A_136 [1] : vector<512x64xf32> to vector<512xf32>
    %broadcast_in_dim3A_138 = vector.shape_cast %reduce_sum3A_137 : vector<512xf32> to vector<512x1xf32>
    %concatenate3A = tpu.concatenate %broadcast_in_dim3A_47, %broadcast_in_dim3A_60, %broadcast_in_dim3A_73, %broadcast_in_dim3A_86, %broadcast_in_dim3A_99, %broadcast_in_dim3A_112, %broadcast_in_dim3A_125, %broadcast_in_dim3A_138 in 0 : vector<512x1xf32>, vector<512x1xf32>, vector<512x1xf32>, vector<512x1xf32>, vector<512x1xf32>, vector<512x1xf32>, vector<512x1xf32>, vector<512x1xf32> -> vector<4096x1xf32>
    %convert_element_type3A_139 = arith.fptosi %broadcast_in_dim3A_22 : vector<1x64xf32> to vector<1x64xi32>
    %add3A_140 = arith.constant 255 : i32
    %add3A_141 = vector.broadcast %add3A_140 : i32 to vector<1x64xi32>
    %add3A_142 = arith.addi %convert_element_type3A_139, %add3A_141 : vector<1x64xi32>
    %shift_right_arithmetic3A = arith.constant 8 : i32
    %shift_right_arithmetic3A_143 = vector.broadcast %shift_right_arithmetic3A : i32 to vector<1x64xi32>
    %shift_right_arithmetic3A_144 = arith.shrsi %add3A_142, %shift_right_arithmetic3A_143 : vector<1x64xi32>
    %shift_left3A = arith.constant 8 : i32
    %shift_left3A_145 = vector.broadcast %shift_left3A : i32 to vector<1x64xi32>
    %shift_left3A_146 = arith.shli %shift_right_arithmetic3A_144, %shift_left3A_145 : vector<1x64xi32>
    %convert_element_type3A_147 = arith.sitofp %shift_left3A_146 : vector<1x64xi32> to vector<1x64xf32>
    %iota3A_148 = tpu.iota {dimensions = array<i32: 0>} : vector<64x64xi32>
    %iota3A_149 = tpu.iota {dimensions = array<i32: 1>} : vector<64x64xi32>
    %le3A = arith.cmpi sle, %iota3A_148, %iota3A_149 : vector<64x64xi32>
    %convert_element_type3A_150 = arith.extui %le3A : vector<64x64xi1> to vector<64x64xi32>
    %convert_element_type3A_151 = arith.sitofp %convert_element_type3A_150 : vector<64x64xi32> to vector<64x64xf32>
    %dot_general3A_152 = arith.constant dense<0.000000e+00> : vector<1x64xf32>
    %dot_general3A_153 = tpu.matmul %convert_element_type3A_147, %convert_element_type3A_151, %dot_general3A_152 {dimension_numbers = #tpu.dot_dimension_numbers<[1], [0], [0], [1], [0, 0, 1, 1], [], []>, transpose_lhs_hint = false} : vector<1x64xf32>, vector<64x64xf32>, vector<1x64xf32> -> vector<1x64xf32>
    %sub3A_154 = arith.subf %dot_general3A_153, %convert_element_type3A_147 : vector<1x64xf32>
    %mul3A_155 = vector.broadcast %sub3A_154 : vector<1x64xf32> to vector<4096x64xf32>
    %mul3A_156 = arith.mulf %convert_element_type3A_19, %mul3A_155 : vector<4096x64xf32>
    %reduce_sum3A_157 = arith.constant dense<0.000000e+00> : vector<4096xf32>
    %reduce_sum3A_158 = vector.multi_reduction <add>, %mul3A_156, %reduce_sum3A_157 [1] : vector<4096x64xf32> to vector<4096xf32>
    %broadcast_in_dim3A_159 = vector.shape_cast %reduce_sum3A_158 : vector<4096xf32> to vector<4096x1xf32>
    %add3A_160 = arith.addf %broadcast_in_dim3A_159, %concatenate3A : vector<4096x1xf32>
    %convert_element_type3A_161 = arith.fptosi %add3A_160 : vector<4096x1xf32> to vector<4096x1xi32>
    %swap3A_162 = arith.constant 0 : index
    %swap3A_163 = arith.constant 0 : index
    %swap3A_164 = vector.load %arg2[%swap3A_162, %swap3A_163] : memref<4096x1xi32, #tpu.memory_space<vmem>>, vector<4096x1xi32>
    tpu.vector_store %arg2[%swap3A_162, %swap3A_163], %convert_element_type3A_161 {strides = array<i32>} : memref<4096x1xi32, #tpu.memory_space<vmem>>, vector<4096x1xi32>,
    %mul3A_165 = arith.constant 1.000000e+00 : f32
    %mul3A_166 = vector.broadcast %mul3A_165 : f32 to vector<4096x1xf32>
    %mul3A_167 = arith.mulf %broadcast_in_dim3A_13, %mul3A_166 : vector<4096x1xf32>
    %swap3A_168 = arith.constant 0 : index
    %swap3A_169 = arith.constant 0 : index
    %swap3A_170 = vector.load %arg3[%swap3A_168, %swap3A_169] : memref<4096x1xf32, #tpu.memory_space<vmem>>, vector<4096x1xf32>
    tpu.vector_store %arg3[%swap3A_168, %swap3A_169], %mul3A_167 {strides = array<i32>} : memref<4096x1xf32, #tpu.memory_space<vmem>>, vector<4096x1xf32>,
    %iota3A_171 = tpu.iota {dimensions = array<i32: 0>} : vector<128x64xi32>
    %mul3A_172 = arith.constant 256 : i32
    %mul3A_173 = vector.broadcast %mul3A_172 : i32 to vector<128x64xi32>
    %mul3A_174 = arith.muli %iota3A_171, %mul3A_173 : vector<128x64xi32>
    %convert_element_type3A_175 = arith.fptosi %dot_general3A_153 : vector<1x64xf32> to vector<1x64xi32>
    %ge3A_176 = vector.broadcast %convert_element_type3A_175 : vector<1x64xi32> to vector<128x64xi32>
    %ge3A_177 = arith.cmpi sge, %mul3A_174, %ge3A_176 : vector<128x64xi32>
    %convert_element_type3A_178 = arith.extui %ge3A_177 : vector<128x64xi1> to vector<128x64xi32>
    %reduce_sum3A_179 = arith.constant dense<0> : vector<128xi32>
    %reduce_sum3A_180 = vector.multi_reduction <add>, %convert_element_type3A_178, %reduce_sum3A_179 [1] : vector<128x64xi32> to vector<128xi32>
    %broadcast_in_dim3A_181 = vector.shape_cast %reduce_sum3A_180 : vector<128xi32> to vector<128x1xi32>
    %min3A = arith.constant 63 : i32
    %min3A_182 = vector.broadcast %min3A : i32 to vector<128x1xi32>
    %min3A_183 = arith.minsi %broadcast_in_dim3A_181, %min3A_182 : vector<128x1xi32>
    %swap3A_184 = arith.constant 0 : index
    %swap3A_185 = arith.constant 0 : index
    %swap3A_186 = vector.load %arg4[%swap3A_184, %swap3A_185] : memref<128x1xi32, #tpu.memory_space<vmem>>, vector<128x1xi32>
    tpu.vector_store %arg4[%swap3A_184, %swap3A_185], %min3A_183 {strides = array<i32>} : memref<128x1xi32, #tpu.memory_space<vmem>>, vector<128x1xi32>,
    return
  }
}

module attributes {stable_mosaic.version = 14 : i64} {
  func.func @_mlp_body(%arg0: i32, %arg1: memref<128xi32, #tpu.memory_space<smem>>, %arg2: memref<256x768xf32, #tpu.memory_space<vmem>>, %arg3: memref<1x768x1536xf32, #tpu.memory_space<vmem>>, %arg4: memref<1x768x768xf32, #tpu.memory_space<vmem>>, %arg5: memref<256x768xf32, #tpu.memory_space<vmem>>) attributes {dimension_semantics = [#tpu.dimension_semantics<arbitrary>], iteration_bounds = array<i64: 80>, scalar_prefetch = 1 : i64, scratch_operands = 0 : i64, tpu.core_type = #tpu.core_type<tc>, window_params = [{transform_indices = @transform_0, window_bounds = array<i64: 256, 768>}, {transform_indices = @transform_1, window_bounds = array<i64: 1, 768, 1536>}, {transform_indices = @transform_2, window_bounds = array<i64: 1, 768, 768>}, {transform_indices = @transform_3, window_bounds = array<i64: 256, 768>}]} {
    %get3A = arith.constant 0 : index
    %get3A_0 = arith.constant 0 : index
    %get3A_1 = vector.load %arg2[%get3A, %get3A_0] : memref<256x768xf32, #tpu.memory_space<vmem>>, vector<256x768xf32>
    %get3A_2 = arith.constant 0 : index
    %get3A_3 = arith.constant 0 : index
    %get3A_4 = arith.constant 0 : index
    %get3A_5 = vector.load %arg3[%get3A_2, %get3A_3, %get3A_4] : memref<1x768x1536xf32, #tpu.memory_space<vmem>>, vector<1x768x1536xf32>
    %get3A_6 = vector.shape_cast %get3A_5 : vector<1x768x1536xf32> to vector<768x1536xf32>
    %dot_general3A = arith.constant dense<0.000000e+00> : vector<256x1536xf32>
    %dot_general3A_7 = tpu.matmul %get3A_1, %get3A_6, %dot_general3A {dimension_numbers = #tpu.dot_dimension_numbers<[1], [0], [0], [1], [0, 0, 1, 1], [], []>, transpose_lhs_hint = false} : vector<256x768xf32>, vector<768x1536xf32>, vector<256x1536xf32> -> vector<256x1536xf32>
    %slice3A = vector.extract_strided_slice %dot_general3A_7 {offsets = [0, 0], sizes = [256, 768], strides = [1, 1]} : vector<256x1536xf32> to vector<256x768xf32>
    %slice3A_8 = vector.extract_strided_slice %dot_general3A_7 {offsets = [0, 768], sizes = [256, 768], strides = [1, 1]} : vector<256x1536xf32> to vector<256x768xf32>
    %logistic3A = arith.negf %slice3A_8 : vector<256x768xf32>
    %logistic3A_9 = math.exp %logistic3A : vector<256x768xf32>
    %logistic3A_10 = arith.constant 1.000000e+00 : f32
    %logistic3A_11 = vector.broadcast %logistic3A_10 : f32 to vector<256x768xf32>
    %logistic3A_12 = arith.addf %logistic3A_11, %logistic3A_9 : vector<256x768xf32>
    %logistic3A_13 = arith.divf %logistic3A_11, %logistic3A_12 : vector<256x768xf32>
    %mul3A = arith.mulf %slice3A_8, %logistic3A_13 : vector<256x768xf32>
    %mul3A_14 = arith.mulf %slice3A, %mul3A : vector<256x768xf32>
    %get3A_15 = arith.constant 0 : index
    %get3A_16 = arith.constant 0 : index
    %get3A_17 = arith.constant 0 : index
    %get3A_18 = vector.load %arg4[%get3A_15, %get3A_16, %get3A_17] : memref<1x768x768xf32, #tpu.memory_space<vmem>>, vector<1x768x768xf32>
    %get3A_19 = vector.shape_cast %get3A_18 : vector<1x768x768xf32> to vector<768x768xf32>
    %dot_general3A_20 = arith.constant dense<0.000000e+00> : vector<256x768xf32>
    %dot_general3A_21 = tpu.matmul %mul3A_14, %get3A_19, %dot_general3A_20 {dimension_numbers = #tpu.dot_dimension_numbers<[1], [0], [0], [1], [0, 0, 1, 1], [], []>, transpose_lhs_hint = false} : vector<256x768xf32>, vector<768x768xf32>, vector<256x768xf32> -> vector<256x768xf32>
    %swap3A = arith.constant 0 : index
    %swap3A_22 = arith.constant 0 : index
    %swap3A_23 = vector.load %arg5[%swap3A, %swap3A_22] : memref<256x768xf32, #tpu.memory_space<vmem>>, vector<256x768xf32>
    tpu.vector_store %arg5[%swap3A, %swap3A_22], %dot_general3A_21 {strides = array<i32>} : memref<256x768xf32, #tpu.memory_space<vmem>>, vector<256x768xf32>,
    return
  }
  func.func @transform_0(%arg0: i32, %arg1: memref<128xi32, #tpu.memory_space<smem>>) -> (i32, i32) {
    %c0_i32 = arith.constant 0 : i32
    %c0_i32_0 = arith.constant 0 : i32
    return %arg0, %c0_i32 : i32, i32
  }
  func.func @transform_1(%arg0: i32, %arg1: memref<128xi32, #tpu.memory_space<smem>>) -> (i32, i32, i32) {
    %get3A = arith.index_cast %arg0 : i32 to index
    %get3A_0 = memref.load %arg1[%get3A] : memref<128xi32, #tpu.memory_space<smem>>
    %c0_i32 = arith.constant 0 : i32
    %c0_i32_1 = arith.constant 0 : i32
    %c0_i32_2 = arith.constant 0 : i32
    return %get3A_0, %c0_i32, %c0_i32_1 : i32, i32, i32
  }
  func.func @transform_2(%arg0: i32, %arg1: memref<128xi32, #tpu.memory_space<smem>>) -> (i32, i32, i32) {
    %get3A = arith.index_cast %arg0 : i32 to index
    %get3A_0 = memref.load %arg1[%get3A] : memref<128xi32, #tpu.memory_space<smem>>
    %c0_i32 = arith.constant 0 : i32
    %c0_i32_1 = arith.constant 0 : i32
    %c0_i32_2 = arith.constant 0 : i32
    return %get3A_0, %c0_i32, %c0_i32_1 : i32, i32, i32
  }
  func.func @transform_3(%arg0: i32, %arg1: memref<128xi32, #tpu.memory_space<smem>>) -> (i32, i32) {
    %c0_i32 = arith.constant 0 : i32
    %c0_i32_0 = arith.constant 0 : i32
    return %arg0, %c0_i32 : i32, i32
  }
}

module attributes {stable_mosaic.version = 14 : i64} {
  func.func @_final_body(%arg0: i32, %arg1: memref<512x768xf32, #tpu.memory_space<vmem>>, %arg2: memref<768x1536xf32, #tpu.memory_space<vmem>>, %arg3: memref<768x768xf32, #tpu.memory_space<vmem>>, %arg4: memref<512x768xf32, #tpu.memory_space<vmem>>, %arg5: memref<512x1xf32, #tpu.memory_space<vmem>>, %arg6: memref<512x768xf32, #tpu.memory_space<vmem>>) attributes {dimension_semantics = [#tpu.dimension_semantics<arbitrary>], iteration_bounds = array<i64: 8>, scalar_prefetch = 0 : i64, scratch_operands = 0 : i64, tpu.core_type = #tpu.core_type<tc>, window_params = [{transform_indices = @transform_0, window_bounds = array<i64: 512, 768>}, {pipeline_mode = #tpu.pipeline_mode<synchronous>, transform_indices = @transform_1, window_bounds = array<i64: 768, 1536>}, {pipeline_mode = #tpu.pipeline_mode<synchronous>, transform_indices = @transform_2, window_bounds = array<i64: 768, 768>}, {transform_indices = @transform_3, window_bounds = array<i64: 512, 768>}, {transform_indices = @transform_4, window_bounds = array<i64: 512, 1>}, {transform_indices = @transform_5, window_bounds = array<i64: 512, 768>}]} {
    %get3A = arith.constant 0 : index
    %get3A_0 = arith.constant 0 : index
    %get3A_1 = vector.load %arg1[%get3A, %get3A_0] : memref<512x768xf32, #tpu.memory_space<vmem>>, vector<512x768xf32>
    %get3A_2 = arith.constant 0 : index
    %get3A_3 = arith.constant 0 : index
    %get3A_4 = vector.load %arg2[%get3A_2, %get3A_3] : memref<768x1536xf32, #tpu.memory_space<vmem>>, vector<768x1536xf32>
    %dot_general3A = arith.constant dense<0.000000e+00> : vector<512x1536xf32>
    %dot_general3A_5 = tpu.matmul %get3A_1, %get3A_4, %dot_general3A {dimension_numbers = #tpu.dot_dimension_numbers<[1], [0], [0], [1], [0, 0, 1, 1], [], []>, transpose_lhs_hint = false} : vector<512x768xf32>, vector<768x1536xf32>, vector<512x1536xf32> -> vector<512x1536xf32>
    %slice3A = vector.extract_strided_slice %dot_general3A_5 {offsets = [0, 0], sizes = [512, 768], strides = [1, 1]} : vector<512x1536xf32> to vector<512x768xf32>
    %slice3A_6 = vector.extract_strided_slice %dot_general3A_5 {offsets = [0, 768], sizes = [512, 768], strides = [1, 1]} : vector<512x1536xf32> to vector<512x768xf32>
    %logistic3A = arith.negf %slice3A_6 : vector<512x768xf32>
    %logistic3A_7 = math.exp %logistic3A : vector<512x768xf32>
    %logistic3A_8 = arith.constant 1.000000e+00 : f32
    %logistic3A_9 = vector.broadcast %logistic3A_8 : f32 to vector<512x768xf32>
    %logistic3A_10 = arith.addf %logistic3A_9, %logistic3A_7 : vector<512x768xf32>
    %logistic3A_11 = arith.divf %logistic3A_9, %logistic3A_10 : vector<512x768xf32>
    %mul3A = arith.mulf %slice3A_6, %logistic3A_11 : vector<512x768xf32>
    %mul3A_12 = arith.mulf %slice3A, %mul3A : vector<512x768xf32>
    %get3A_13 = arith.constant 0 : index
    %get3A_14 = arith.constant 0 : index
    %get3A_15 = vector.load %arg3[%get3A_13, %get3A_14] : memref<768x768xf32, #tpu.memory_space<vmem>>, vector<768x768xf32>
    %dot_general3A_16 = arith.constant dense<0.000000e+00> : vector<512x768xf32>
    %dot_general3A_17 = tpu.matmul %mul3A_12, %get3A_15, %dot_general3A_16 {dimension_numbers = #tpu.dot_dimension_numbers<[1], [0], [0], [1], [0, 0, 1, 1], [], []>, transpose_lhs_hint = false} : vector<512x768xf32>, vector<768x768xf32>, vector<512x768xf32> -> vector<512x768xf32>
    %get3A_18 = arith.constant 0 : index
    %get3A_19 = arith.constant 0 : index
    %get3A_20 = vector.load %arg5[%get3A_18, %get3A_19] : memref<512x1xf32, #tpu.memory_space<vmem>>, vector<512x1xf32>
    %get3A_21 = arith.constant 0 : index
    %get3A_22 = arith.constant 0 : index
    %get3A_23 = vector.load %arg4[%get3A_21, %get3A_22] : memref<512x768xf32, #tpu.memory_space<vmem>>, vector<512x768xf32>
    %mul3A_24 = vector.broadcast %get3A_20 : vector<512x1xf32> to vector<512x768xf32>
    %mul3A_25 = arith.mulf %mul3A_24, %get3A_23 : vector<512x768xf32>
    %add3A = arith.addf %dot_general3A_17, %mul3A_25 : vector<512x768xf32>
    %swap3A = arith.constant 0 : index
    %swap3A_26 = arith.constant 0 : index
    %swap3A_27 = vector.load %arg6[%swap3A, %swap3A_26] : memref<512x768xf32, #tpu.memory_space<vmem>>, vector<512x768xf32>
    tpu.vector_store %arg6[%swap3A, %swap3A_26], %add3A {strides = array<i32>} : memref<512x768xf32, #tpu.memory_space<vmem>>, vector<512x768xf32>,
    return
  }
  func.func @transform_0(%arg0: i32) -> (i32, i32) {
    %c0_i32 = arith.constant 0 : i32
    %c0_i32_0 = arith.constant 0 : i32
    return %arg0, %c0_i32 : i32, i32
  }
  func.func @transform_1(%arg0: i32) -> (i32, i32) {
    %c0_i32 = arith.constant 0 : i32
    %c0_i32_0 = arith.constant 0 : i32
    %c0_i32_1 = arith.constant 0 : i32
    return %c0_i32, %c0_i32_0 : i32, i32
  }
  func.func @transform_2(%arg0: i32) -> (i32, i32) {
    %c0_i32 = arith.constant 0 : i32
    %c0_i32_0 = arith.constant 0 : i32
    %c0_i32_1 = arith.constant 0 : i32
    return %c0_i32, %c0_i32_0 : i32, i32
  }
  func.func @transform_3(%arg0: i32) -> (i32, i32) {
    %c0_i32 = arith.constant 0 : i32
    %c0_i32_0 = arith.constant 0 : i32
    return %arg0, %c0_i32 : i32, i32
  }
  func.func @transform_4(%arg0: i32) -> (i32, i32) {
    %c0_i32 = arith.constant 0 : i32
    %c0_i32_0 = arith.constant 0 : i32
    return %arg0, %c0_i32 : i32, i32
  }
  func.func @transform_5(%arg0: i32) -> (i32, i32) {
    %c0_i32 = arith.constant 0 : i32
    %c0_i32_0 = arith.constant 0 : i32
    return %arg0, %c0_i32 : i32, i32
  }
}

</mosaic_0001>

<sc_bundles>
// kernel: kernel.10.cloned.1.call-start
scs
__scs_entry_jumppad:
0x0: {  	(pc) =	sbr.rel $0x88, $3  }
0x1: {  	(tag) =	ssettag $0x0;
	lr =	simm.s32 $0x1  }
0x2: {  	[smem:$0x3F9B] =	sst lr;
	_ =	strace $0xD0000000  }
0x3: {  	_ = 	snop  }
0x4: {  	_ = 	snop  }
0x5: {  	_ = 	snop  }
0x6: {  	_ = 	snop  }
0x7: {  	_ = 	snop  }
__scs_overlays_trampoline_lowered:
0x8: {  	[smem:$0x3FAA] =	sst s0  }
0x9: {  	[smem:$0x3FAB] =	sst s1  }
0xa: {  	[smem:$0x3FAC] =	sst s2  }
0xb: {  	[smem:$0x3FAD] =	sst s3  }
0xc: {  	[smem:$0x3FAE] =	sst s4  }
0xd: {  	[smem:$0x3FAF] =	sst s5  }
0xe: {  	[smem:$0x3FB0] =	sst s6  }
0xf: {  	[smem:$0x3FB1] =	sst s7  }
0x10: {  	[smem:$0x3FB2] =	sst s8  }
0x11: {  	[smem:$0x3FB3] =	sst s9;
	s0 =	simm.s32 @!p0 $0x0  }
0x12: {  	s1 =	sld [smem:$0x3F99];
	s0 =	simm.s32 @p0 $0x1  }
0x13: {  	[smem:$0x3FB4] =	sst s0;
	s0 =	simm.s32 @!p1 $0x0  }
0x14: {  	s2 =	sld [smem:$0x3F98];
	s0 =	simm.s32 @p1 $0x1  }
0x15: {  	[smem:$0x3FB5] =	sst s0;
	s0 =	simm.s32 @!p2 $0x0  }
0x16: {  	s3 =	sld [smem:$0x3FDB];
	s0 =	simm.s32 @p2 $0x1  }
0x17: {  	s4 =	simm.s32 $0x1BF5;
	[smem:$0x3FB7] =	sst s0  }
0x18: {  	s0 =	sld [smem:$0x3F9A];
	_ =	swait.ge [sflag:s4], $0x0  }
0x19: {  	s7 =	sld [smem:$0x3F9B]  }
0x1a: {  	s8 =	sadd.s32 $0xFFFFE003, lr  }
0x1b: {  	s9 =	sadd.s32 $0xFFFFFEF7, lr;
	s5 =	simm.s32 $0xFFFFFFFF;
	p2 =	slt.u32 s8, $0xFFFFF086  }
0x1c: {  	p1 =	slt.u32 s9, $0xF7A;
	s5 =	simm.s32 @!p2 $0x0  }
0x1d: {  	s5 =	simm.s32 @p1 $0x1;
	p0 =	seq.s32 s7, s2  }
0x1e: {  	s7 =	smul.u32 @!p0 $0xF7A, s2;
	p2 =	seq.s32 @!p0 s5, $0x0  }
0x1f: {  	s9 =	smul.u32 $0xF7A, s1;
	s8 =	simm.s32 @!p0 $0x1BF5;
	p2 =	por !p2, p0  }
0x20: {  	[sflag:s8] =	ssyncset.s32 @!p0 $0xFFFFF086;
	s6 =	sadd.s32 @!p0 s3, s7;
	s7 =	simm.s32 @!p0 $0x108  }
0x21: {  	s3 =	sadd.s32 s3, s9;
	s6 =	sadd.s32 @!p0 $0x88, s6;
	s7 =	simm.s32 @p2 $0x1082  }
0x22: {  	[simem:s7], [sflag:s8] =	dma.local @!p0 [hbm:s6], $0xF7A  }
0x23: {  	s9 =	sor.u32 $0xD0000000, s2;
	s6 =	simm.s32 $0x108;
	_ =	swait.ge @!p0 [sflag:s8], $0x0  }
0x24: {  	s3 =	sadd.s32 $0x88, s3;
	s6 =	simm.s32 @!p1 $0x1082;
	[sflag:s4] =	ssyncset.s32 $0xFFFFF086  }
0x25: {  	[simem:s6], [sflag:s4] =	dma.local [hbm:s3], $0xF7A  }
0x26: {  	[smem:$0x3F9B] =	sst s1;
	(tag) =	ssettag s2;
	_ =	strace s9  }
0x27: {  	s1 =	sld [smem:$0x3FAB]  }
0x28: {  	s2 =	sld [smem:$0x3FAC]  }
0x29: {  	s4 =	sld [smem:$0x3FAE]  }
0x2a: {  	p0 =	seq.s32 s5, $0x0;
	s5 =	sld [smem:$0x3FAF]  }
0x2b: {  	s6 =	sld [smem:$0x3FB0]  }
0x2c: {  	s7 =	sld [smem:$0x3FB1]  }
0x2d: {  	s3 =	simm.s32 $0x108;
	s8 =	sld [smem:$0x3FB2]  }
0x2e: {  	s3 =	simm.s32 @!p0 $0x1082;
	s9 =	sld [smem:$0x3FB3]  }
0x2f: {  	lr =	sadd.s32 s0, s3;
	s0 =	sld [smem:$0x3FAA]  }
0x30: {  	s3 =	sld [smem:$0x3FAD]  }
0x31: {  	[smem:$0x3FB6] =	sst s10  }
0x32: {  	s10 =	sld [smem:$0x3FB4];
	_ =	sdelay $0x3  }
0x33: {  	p0 =	seq.s32 s10, $0x1;
	s10 =	sld [smem:$0x3FB6];
	_ =	sdelay $0x3  }
0x34: {  	[smem:$0x3FB6] =	sst s10  }
0x35: {  	s10 =	sld [smem:$0x3FB5];
	_ =	sdelay $0x3  }
0x36: {  	p1 =	seq.s32 s10, $0x1;
	s10 =	sld [smem:$0x3FB6];
	_ =	sdelay $0x3  }
0x37: {  	[smem:$0x3FB6] =	sst s10  }
0x38: {  	s10 =	sld [smem:$0x3FB7]  }
0x39: {  	_ = 	snop;
	(pc) =	sbr.ind lr, $3  }
0x3a: {  	_ = 	snop  }
0x3b: {  	_ = 	snop  }
0x3c: {  	p2 =	seq.s32 s10, $0x1;
	s10 =	sld [smem:$0x3FB6]  }
0x3d: {  	_ =	shalt  }
0x3e: {  	_ =	shalt  }
0x3f: {  	_ =	shalt  }
0x40: {  	_ =	shalt  }
0x41: {  	_ =	shalt  }
0x42: {  	_ =	shalt  }
0x43: {  	_ =	shalt  }
0x44: {  	_ =	shalt  }
0x45: {  	_ =	shalt  }
0x46: {  	_ =	shalt  }
0x47: {  	_ =	shalt  }
0x48: {  	_ =	shalt  }
0x49: {  	_ =	shalt  }
0x4a: {  	_ =	shalt  }
0x4b: {  	_ =	shalt  }
0x4c: {  	_ =	shalt  }
0x4d: {  	_ =	shalt  }
0x4e: {  	_ =	shalt  }
0x4f: {  	_ =	shalt  }
0x50: {  	_ =	shalt  }
0x51: {  	_ =	shalt  }
0x52: {  	_ =	shalt  }
0x53: {  	_ =	shalt  }
0x54: {  	_ =	shalt  }
0x55: {  	_ =	shalt  }
0x56: {  	_ =	shalt  }
0x57: {  	_ =	shalt  }
0x58: {  	_ =	shalt  }
0x59: {  	_ =	shalt  }
0x5a: {  	_ =	shalt  }
0x5b: {  	_ =	shalt  }
0x5c: {  	_ =	shalt  }
0x5d: {  	_ =	shalt  }
0x5e: {  	_ =	shalt  }
0x5f: {  	_ =	shalt  }
0x60: {  	_ =	shalt  }
0x61: {  	_ =	shalt  }
0x62: {  	_ =	shalt  }
0x63: {  	_ =	shalt  }
0x64: {  	_ =	shalt  }
0x65: {  	_ =	shalt  }
0x66: {  	_ =	shalt  }
0x67: {  	_ =	shalt  }
0x68: {  	_ =	shalt  }
0x69: {  	_ =	shalt  }
0x6a: {  	_ =	shalt  }
0x6b: {  	_ =	shalt  }
0x6c: {  	_ =	shalt  }
0x6d: {  	_ =	shalt  }
0x6e: {  	_ =	shalt  }
0x6f: {  	_ =	shalt  }
0x70: {  	_ =	shalt  }
0x71: {  	_ =	shalt  }
0x72: {  	_ =	shalt  }
0x73: {  	_ =	shalt  }
0x74: {  	_ =	shalt  }
0x75: {  	_ =	shalt  }
0x76: {  	_ =	shalt  }
0x77: {  	_ =	shalt  }
0x78: {  	_ =	shalt  }
0x79: {  	_ =	shalt  }
0x7a: {  	_ =	shalt  }
0x7b: {  	_ =	shalt  }
0x7c: {  	_ =	shalt  }
0x7d: {  	_ =	shalt  }
0x7e: {  	_ =	shalt  }
0x7f: {  	_ =	shalt  }
0x80: {  	_ =	shalt  }
0x81: {  	_ =	shalt  }
0x82: {  	_ =	shalt  }
0x83: {  	_ =	shalt  }
0x84: {  	_ =	shalt  }
0x85: {  	_ =	shalt  }
0x86: {  	_ =	shalt  }
0x87: {  	_ =	shalt  }
.Lfunc_end0:
.L_simem_size_0:
called_computation.1_lowered:
.L_overlay_start_0:
0x88: {  	s2 =	sld [smem:$0x3FD9]  }
0x89: {  	s3 =	sld [smem:$0x3FFE];
	_ =	sdelay $0x1  }
0x8a: {  	s1 =	srdreg.scid  }
0x8b: {  	s0 =	sand.u32 $0x1, s1  }
0x8c: {  	s16 =	sshll.u32 s0, $0xA;
	s2 =	sadd.s32 s3, s2  }
0x8d: {  	s2 =	sadd.s32 s2, s16  }
0x8e: {  	[smem:$0x3FC2] =	sst s2  }
0x8f: {  	_ = 	snop  }
0x90: {  	(tm) =	ssettm $0x1  }
0x91: {  	s17 =	sld [smem:$0x3FFB];
	_ =	sdelay $0x3  }
0x92: {  	_ =	strace s17  }
0x93: {  	s2 =	sld [smem:$0x3FFC];
	_ =	sdelay $0x3  }
0x94: {  	_ =	strace s2  }
0x95: {  	s2 =	sld [smem:$0x3FFD];
	_ =	sdelay $0x3  }
0x96: {  	_ =	strace s2  }
0x97: {  	_ =	strace $0x8FFFFFFF  }
0x98: {  	s18 =	sld [smem:$0x3FDB];
	_ =	sdelay $0x1  }
0x99: {  	s19 =	simm.s32 $_scs_section_size  }
0x9a: {  	s4 =	simm.s32 $_size__tile_overlayer_lowered;
	s5 =	simm.s32 $_tile_overlayer_lowered  }
0x9b: {  	s22 =	simm.s32 $0x1BFF;
	s21 =	sshll.u32 s5, $0x1;
	s2 =	sadd.s32 s19, s18  }
0x9c: {  	s6 =	simm.s32 $0x0;
	s20 =	sshll.u32 s4, $0x1;
	s4 =	sadd.s32 s21, s2  }
0x9d: {  	[timem:s6], [sflag:s22] =	dma.local [hbm:s4], s20  }
0x9e: {  	_ =	swait.ge [sflag:s22], s20  }
0x9f: {  	s3 =	ssub.s32 $0x0, s20;
	[sflag:s22] =	ssyncset.done $0x0  }
0xa0: {  	[sflag:s22] =	ssyncadd.s32 s3;
	_ =	sdelay $0x1  }
0xa1: {  	s23 =	simm.s32 $0x1B8B  }
0xa2: {  	_ =	swait.ge [sflag:s23], $0x1  }
0xa3: {  	[sflag:s23] =	ssyncset.done $0x0  }
0xa4: {  	s25 =	simm.s32 $0x1B8E;
	s24 =	sld [smem:$0x3FFE];
	[sflag:s23] =	ssyncadd.s32 $0xFFFFFFFF  }
0xa5: {  	s26 =	simm.s32 $execute0_lowered;
	[smem:$0x3FD2] =	sst s25  }
0xa6: {  	s4 =	sshll.u32 s26, $0x1;
	_ =	strace $0x80000049;
	[dreg:$0x1] =	wrdreg $0xFFFFFFFF  }
0xa7: {  	s28 =	simm.s32 $_size_execute0_lowered;
	s2 =	sadd.s32 s2, s4;
	[dreg:$0x0] =	wrdreg $0x0  }
0xa8: {  	s4 =	sshll.u32 s28, $0x1;
	[dreg:$0x2] =	wrdreg s2  }
0xa9: {  	[dreg:$0x3] =	wrdreg s4  }
0xaa: {  	[dreg:$0x4] =	wrdreg $0xC0  }
0xab: {  	_ =	task [dreg:s6], $0x5FFFF  }
0xac: {  	[dreg:$0x1] =	wrdreg $0xFFFFFFFF  }
0xad: {  	[dreg:$0x0] =	wrdreg $0x60  }
0xae: {  	[dreg:$0x2] =	wrdreg s24  }
0xaf: {  	[dreg:$0x3] =	wrdreg $0x9  }
0xb0: {  	_ =	task.clear_ibuf [dreg:s6], $0x4FFFF;
	_ =	strace $0x90000049  }
0xb1: {  	s29 =	simm.s32 $0x9;
	_ =	strace $0x8000004B  }
0xb2: {  	_ =	swait.ge [sflag:s29], $0x1  }
0xb3: {  	[sflag:s29] =	ssyncadd.s32 $0xFFFFFFFF  }
0xb4: {  	_ =	strace $0x9000004B  }
0xb5: {  	_ =	sfence  }
0xb6: {  	s30 =	sld [smem:$0x0];
	_ =	sdelay $0x2  }
0xb7: {  	s31 =	sshll.u32 s1, $0xD;
	s1 =	sshrl.u32 s1, $0x2  }
0xb8: {  	s3 =	sand.u32 $0x4000, s31;
	s1 =	sadd.s32 s1, s30  }
0xb9: {  	s0 =	sor.u32 s3, s0;
	s1 =	sshll.u32 s1, $0x11  }
0xba: {  	s0 =	sor.u32 s1, s0  }
0xbb: {  	s0 =	sadd.s32 $0x8F2B, s0  }
0xbc: {  	[sflag:s0] =	ssyncadd.remote.s32 $0x1  }
0xbd: {  	_ =	sfence.sel $0xFFFF  }
0xbe: {  	[dreg:$0x0] =	wrdreg $0xFFFFFFFF;
	(pc) =	sbr.abs _section_cstart, $3  }
0xbf: {  	[dreg:$0x1] =	wrdreg $0xFFFFFFFF  }
0xc0: {  	_ =	task.clear_ibuf [dreg:s6], $0x2FFFF;
	_ =	strace $0x9FFFFFFF  }
0xc1: {  	(tm) =	ssettm $0x7FFFFFFF  }
tec
execute0_lowered:
.L_overlay_start_1:
0x0: {  	(tag) =	ssettag $0x1  }
0x1: {  	s1 =	srdreg.scid  }
0x2: {  	s0 =	stileid.u32;
	s1 =	sand.u32 $0x1, s1  }
0x3: {  	s2 =	sshll.u32 s0, $0x5;
	s3 =	sshll.u32 s1, $0x4  }
0x4: {  	s5 =	rddreg [dreg:$0x0];
	s3 =	sor.u32 s3, s2;
	s2 =	simm.s32 $0x0  }
0x5: {  	s26 =	simm.s32 $0x880;
	[smem:$0x7FF] =	sst s2  }
0x6: {  	s0 =	simm.s32 $0x1080;
	_ =	strace $0x8000004A;
	[dreg:$0x4] =	wrdreg s26  }
0x7: {  	s6 =	simm.s32 $0x2080;
	[dreg:$0x5] =	wrdreg s0  }
0x8: {  	s7 =	simm.s32 $0x2880;
	[dreg:$0x7] =	wrdreg s6  }
0x9: {  	s8 =	simm.s32 $0x3080;
	[dreg:$0x8] =	wrdreg s7  }
0xa: {  	s9 =	simm.s32 $0x3880;
	[dreg:$0x9] =	wrdreg s8  }
0xb: {  	s10 =	simm.s32 $0x4080;
	[dreg:$0xa] =	wrdreg s9  }
0xc: {  	s11 =	simm.s32 $0x4880;
	[dreg:$0xb] =	wrdreg s10  }
0xd: {  	s12 =	simm.s32 $0x5080;
	[dreg:$0xc] =	wrdreg s11  }
0xe: {  	s13 =	simm.s32 $0x5880;
	[dreg:$0xd] =	wrdreg s12  }
0xf: {  	s14 =	simm.s32 $0x6080;
	[dreg:$0xe] =	wrdreg s13  }
0x10: {  	s15 =	simm.s32 $0x6880;
	[dreg:$0xf] =	wrdreg s14  }
0x11: {  	s16 =	simm.s32 $0x7080;
	[dreg:$0x10] =	wrdreg s15  }
0x12: {  	s17 =	simm.s32 $0x7880;
	s18 =	simm.s32 $0x8080;
	[dreg:$0x11] =	wrdreg s16  }
0x13: {  	s19 =	simm.s32 $0x8880;
	s20 =	simm.s32 $0x9080;
	[dreg:$0x12] =	wrdreg s17  }
0x14: {  	s21 =	simm.s32 $0x9880;
	s22 =	simm.s32 $0xA080;
	[dreg:$0x13] =	wrdreg s18  }
0x15: {  	s23 =	simm.s32 $0xA880;
	s24 =	simm.s32 $0xB880;
	[dreg:$0x14] =	wrdreg s19  }
0x16: {  	s28 =	simm.s32 $0x16080;
	s29 =	simm.s32 $0x16880;
	[dreg:$0x15] =	wrdreg s20  }
0x17: {  	s30 =	simm.s32 $0x17080;
	s31 =	simm.s32 $0x17880;
	[dreg:$0x16] =	wrdreg s21  }
0x18: {  	s4 =	smul.u32 $0x300, s3;
	s3 =	sadd.s32 s3, s5;
	[dreg:$0x17] =	wrdreg s22  }
0x19: {  	s1 =	ssub.s32 $0x2, s1;
	s3 =	sadd.s32 $0xC00, s3;
	[dreg:$0x18] =	wrdreg s23  }
0x1a: {  	s6 =	sshrl.u32 s1, $0x1;
	s7 =	simm.s32 $0xB080;
	[dreg:$0x1a] =	wrdreg s24  }
0x1b: {  	s8 =	simm.s32 $0x80;
	s26 =	simm.s32 $0xC880;
	s10 =	simm.s32 $0xD880  }
0x1c: {  	s11 =	simm.s32 $0xE080;
	s12 =	simm.s32 $0xE880;
	s13 =	simm.s32 $0xF080  }
0x1d: {  	s14 =	simm.s32 $0xF880;
	s15 =	simm.s32 $0x10080;
	s16 =	simm.s32 $0x10880  }
0x1e: {  	s17 =	simm.s32 $0x11080;
	s18 =	simm.s32 $0x11880;
	s19 =	simm.s32 $0x12080  }
0x1f: {  	s20 =	simm.s32 $0x12880;
	s21 =	simm.s32 $0x13080;
	s22 =	simm.s32 $0x13880  }
0x20: {  	s23 =	simm.s32 $0x14080;
	s24 =	simm.s32 $0x14880;
	[dreg:$0x2] =	wrdreg s3  }
0x21: {  	s4 =	sadd.s32 s4, s5;
	s3 =	sadd.s32 $0x1E0E00, s5;
	[dreg:$0x19] =	wrdreg s7  }
0x22: {  	s1 =	ssub.s32 s1, s6;
	s7 =	simm.s32 $0x2;
	[dreg:$0x1c] =	wrdreg s26  }
0x23: {  	s26 =	simm.s32 $0x15880;
	s25 =	sadd.s32 $0xE00, s4;
	s4 =	simm.s32 $0x1880  }
0x24: {  	v2 =	vlaneseq.u32;
	s6 =	smax.u32 s1, $0x1;
	s1 =	simm.s32 $0x1;
	[dreg:$0x3] =	wrdreg s25  }
0x25: {  	vm0 =	vmmov $0xffff;
	v1 =	vshrl.u32 v2, $0x3;
	[dreg:$0x6] =	wrdreg s4;
	s4 =	sadd.s32 $0x1E0F00, s5;
	s25 =	simm.s32 $0xC080  }
0x26: {  	v0 =	vand.u32 $0x7, v2;
	v2 =	vor.u32 $0x8, v2;
	v1 =	vmul.u32 $0x8, v1;
	s5 =	sadd.s32 $0x1E1000, s5;
	[dreg:$0x1b] =	wrdreg s25;
	s25 =	simm.s32 $0x15080  }
.LBB2_1:
0x27: {  	s0 =	rddreg [dreg:$0x2]  }
0x28: {  	[tilespmem:s2], [sflag:$0x2] =	stream.linear.gather [hbm4b:s0+s2], $0x80, $0x38;
	[tilespmem:$0x18080] =	vst v63  }
0x29: {  	_ =	swait.ge [sflag:s7], $0x80  }
0x2a: {  	[sflag:s7] =	ssyncset.done $0x0  }
0x2b: {  	[sflag:s7] =	ssyncadd.s32 $0xFFFFFF80  }
0x2c: {  	v3 =	vld [tilespmem:$0x0];
	_ =	sdelay $0x4  }
0x2d: {  	v4 =	vshrl.u32 v3, $0x3  }
0x2e: {  	v4 =	vmul.u32 $0x30, v4  }
0x2f: {  	v3 =	vand.u32 $0x7, v3  }
0x30: {  	v3 =	vor.u32 v3, v4  }
0x31: {  	v4 =	vperm.xlane v3, v0;
	_ =	sdelay $0x1  }
0x32: {  	v4 =	vadd.s32 v1, v4;
	_ =	sdelay $0x3  }
0x33: {  	v3 =	vperm.xlane v3, v2  }
0x34: {  	[tilespmem:s8], [sflag:$0x1] =	stream.indirect_vreg.gather [hbm4b:s3+s2], $0x80, v4, vm0, $0xb8;
	[tilespmem:$0x18080] =	vst v63  }
0x35: {  	s0 =	rddreg [dreg:$0x4];
	v3 =	vadd.s32 v1, v3  }
0x36: {  	[tilespmem:s0], [sflag:$0x1] =	stream.indirect_vreg.gather [hbm4b:s4+s2], $0x80, v4, vm0, $0xb8;
	[tilespmem:$0x18080] =	vst v63  }
0x37: {  	s9 =	rddreg [dreg:$0x5]  }
0x38: {  	[tilespmem:s9], [sflag:$0x1] =	stream.indirect_vreg.gather [hbm4b:s5+s2], $0x80, v4, vm0, $0xb8;
	[tilespmem:$0x18080] =	vst v63  }
0x39: {  	s0 =	rddreg [dreg:$0x6]  }
0x3a: {  	[tilespmem:s0], [sflag:$0x1] =	stream.indirect_vreg.gather [hbm4b:s3+s2], $0x80, v3, vm0, $0xb8;
	[tilespmem:$0x18080] =	vst v63  }
0x3b: {  	s9 =	rddreg [dreg:$0x7]  }
0x3c: {  	[tilespmem:s9], [sflag:$0x1] =	stream.indirect_vreg.gather [hbm4b:s4+s2], $0x80, v3, vm0, $0xb8;
	[tilespmem:$0x18080] =	vst v63  }
0x3d: {  	s0 =	rddreg [dreg:$0x8]  }
0x3e: {  	[tilespmem:s0], [sflag:$0x1] =	stream.indirect_vreg.gather [hbm4b:s5+s2], $0x80, v3, vm0, $0xb8;
	[tilespmem:$0x18080] =	vst v63  }
0x3f: {  	v3 =	vld [tilespmem:$0x10];
	_ =	sdelay $0x4  }
0x40: {  	v57 =	vshrl.u32 v3, $0x3  }
0x41: {  	v4 =	vmul.u32 $0x30, v57  }
0x42: {  	v3 =	vand.u32 $0x7, v3  }
0x43: {  	v3 =	vor.u32 v3, v4  }
0x44: {  	v4 =	vperm.xlane v3, v0;
	_ =	sdelay $0x1  }
0x45: {  	v4 =	vadd.s32 v1, v4;
	_ =	sdelay $0x3  }
0x46: {  	s0 =	rddreg [dreg:$0x9];
	v3 =	vperm.xlane v3, v2  }
0x47: {  	[tilespmem:s0], [sflag:$0x1] =	stream.indirect_vreg.gather [hbm4b:s3+s2], $0x80, v4, vm0, $0xb8;
	[tilespmem:$0x18080] =	vst v63  }
0x48: {  	s9 =	rddreg [dreg:$0xa];
	v3 =	vadd.s32 v1, v3  }
0x49: {  	[tilespmem:s9], [sflag:$0x1] =	stream.indirect_vreg.gather [hbm4b:s4+s2], $0x80, v4, vm0, $0xb8;
	[tilespmem:$0x18080] =	vst v63  }
0x4a: {  	s0 =	rddreg [dreg:$0xb]  }
0x4b: {  	[tilespmem:s0], [sflag:$0x1] =	stream.indirect_vreg.gather [hbm4b:s5+s2], $0x80, v4, vm0, $0xb8;
	[tilespmem:$0x18080] =	vst v63  }
0x4c: {  	s9 =	rddreg [dreg:$0xc]  }
0x4d: {  	[tilespmem:s9], [sflag:$0x1] =	stream.indirect_vreg.gather [hbm4b:s3+s2], $0x80, v3, vm0, $0xb8;
	[tilespmem:$0x18080] =	vst v63  }
0x4e: {  	s0 =	rddreg [dreg:$0xd]  }
0x4f: {  	[tilespmem:s0], [sflag:$0x1] =	stream.indirect_vreg.gather [hbm4b:s4+s2], $0x80, v3, vm0, $0xb8;
	[tilespmem:$0x18080] =	vst v63  }
0x50: {  	s9 =	rddreg [dreg:$0xe]  }
0x51: {  	[tilespmem:s9], [sflag:$0x1] =	stream.indirect_vreg.gather [hbm4b:s5+s2], $0x80, v3, vm0, $0xb8;
	[tilespmem:$0x18080] =	vst v63  }
0x52: {  	v3 =	vld [tilespmem:$0x20];
	_ =	sdelay $0x4  }
0x53: {  	v58 =	vshrl.u32 v3, $0x3  }
0x54: {  	v4 =	vmul.u32 $0x30, v58  }
0x55: {  	v3 =	vand.u32 $0x7, v3  }
0x56: {  	v3 =	vor.u32 v3, v4  }
0x57: {  	v4 =	vperm.xlane v3, v0;
	_ =	sdelay $0x1  }
0x58: {  	v4 =	vadd.s32 v1, v4;
	_ =	sdelay $0x3  }
0x59: {  	s0 =	rddreg [dreg:$0xf];
	v3 =	vperm.xlane v3, v2  }
0x5a: {  	[tilespmem:s0], [sflag:$0x1] =	stream.indirect_vreg.gather [hbm4b:s3+s2], $0x80, v4, vm0, $0xb8;
	[tilespmem:$0x18080] =	vst v63  }
0x5b: {  	s9 =	rddreg [dreg:$0x10];
	v3 =	vadd.s32 v1, v3  }
0x5c: {  	[tilespmem:s9], [sflag:$0x1] =	stream.indirect_vreg.gather [hbm4b:s4+s2], $0x80, v4, vm0, $0xb8;
	[tilespmem:$0x18080] =	vst v63  }
0x5d: {  	s0 =	rddreg [dreg:$0x11]  }
0x5e: {  	[tilespmem:s0], [sflag:$0x1] =	stream.indirect_vreg.gather [hbm4b:s5+s2], $0x80, v4, vm0, $0xb8;
	[tilespmem:$0x18080] =	vst v63  }
0x5f: {  	s9 =	rddreg [dreg:$0x12]  }
0x60: {  	[tilespmem:s9], [sflag:$0x1] =	stream.indirect_vreg.gather [hbm4b:s3+s2], $0x80, v3, vm0, $0xb8;
	[tilespmem:$0x18080] =	vst v63  }
0x61: {  	s0 =	rddreg [dreg:$0x13]  }
0x62: {  	[tilespmem:s0], [sflag:$0x1] =	stream.indirect_vreg.gather [hbm4b:s4+s2], $0x80, v3, vm0, $0xb8;
	[tilespmem:$0x18080] =	vst v63  }
0x63: {  	s9 =	rddreg [dreg:$0x14]  }
0x64: {  	[tilespmem:s9], [sflag:$0x1] =	stream.indirect_vreg.gather [hbm4b:s5+s2], $0x80, v3, vm0, $0xb8;
	[tilespmem:$0x18080] =	vst v63  }
0x65: {  	v3 =	vld [tilespmem:$0x30];
	_ =	sdelay $0x4  }
0x66: {  	v59 =	vshrl.u32 v3, $0x3  }
0x67: {  	v4 =	vmul.u32 $0x30, v59  }
0x68: {  	v3 =	vand.u32 $0x7, v3  }
0x69: {  	v3 =	vor.u32 v3, v4  }
0x6a: {  	v4 =	vperm.xlane v3, v0;
	_ =	sdelay $0x1  }
0x6b: {  	v4 =	vadd.s32 v1, v4;
	_ =	sdelay $0x3  }
0x6c: {  	s0 =	rddreg [dreg:$0x15];
	v3 =	vperm.xlane v3, v2  }
0x6d: {  	[tilespmem:s0], [sflag:$0x1] =	stream.indirect_vreg.gather [hbm4b:s3+s2], $0x80, v4, vm0, $0xb8;
	[tilespmem:$0x18080] =	vst v63  }
0x6e: {  	s9 =	rddreg [dreg:$0x16];
	v3 =	vadd.s32 v1, v3  }
0x6f: {  	[tilespmem:s9], [sflag:$0x1] =	stream.indirect_vreg.gather [hbm4b:s4+s2], $0x80, v4, vm0, $0xb8;
	[tilespmem:$0x18080] =	vst v63  }
0x70: {  	s0 =	rddreg [dreg:$0x17]  }
0x71: {  	[tilespmem:s0], [sflag:$0x1] =	stream.indirect_vreg.gather [hbm4b:s5+s2], $0x80, v4, vm0, $0xb8;
	[tilespmem:$0x18080] =	vst v63  }
0x72: {  	s9 =	rddreg [dreg:$0x18]  }
0x73: {  	[tilespmem:s9], [sflag:$0x1] =	stream.indirect_vreg.gather [hbm4b:s3+s2], $0x80, v3, vm0, $0xb8;
	[tilespmem:$0x18080] =	vst v63  }
0x74: {  	s0 =	rddreg [dreg:$0x19]  }
0x75: {  	[tilespmem:s0], [sflag:$0x1] =	stream.indirect_vreg.gather [hbm4b:s4+s2], $0x80, v3, vm0, $0xb8;
	[tilespmem:$0x18080] =	vst v63  }
0x76: {  	s9 =	rddreg [dreg:$0x1a]  }
0x77: {  	[tilespmem:s9], [sflag:$0x1] =	stream.indirect_vreg.gather [hbm4b:s5+s2], $0x80, v3, vm0, $0xb8;
	[tilespmem:$0x18080] =	vst v63  }
0x78: {  	v3 =	vld [tilespmem:$0x40];
	_ =	sdelay $0x4  }
0x79: {  	v60 =	vshrl.u32 v3, $0x3  }
0x7a: {  	v4 =	vmul.u32 $0x30, v60  }
0x7b: {  	v3 =	vand.u32 $0x7, v3  }
0x7c: {  	v3 =	vor.u32 v3, v4  }
0x7d: {  	v4 =	vperm.xlane v3, v0;
	_ =	sdelay $0x1  }
0x7e: {  	v4 =	vadd.s32 v1, v4;
	_ =	sdelay $0x3  }
0x7f: {  	s0 =	rddreg [dreg:$0x1b];
	v3 =	vperm.xlane v3, v2  }
0x80: {  	[tilespmem:s0], [sflag:$0x1] =	stream.indirect_vreg.gather [hbm4b:s3+s2], $0x80, v4, vm0, $0xb8;
	[tilespmem:$0x18080] =	vst v63  }
0x81: {  	s9 =	rddreg [dreg:$0x1c];
	v3 =	vadd.s32 v1, v3  }
0x82: {  	[tilespmem:s9], [sflag:$0x1] =	stream.indirect_vreg.gather [hbm4b:s4+s2], $0x80, v4, vm0, $0xb8;
	[tilespmem:$0x18080] =	vst v63  }
0x83: {  	s9 =	simm.s32 $0xD080  }
0x84: {  	[tilespmem:s9], [sflag:$0x1] =	stream.indirect_vreg.gather [hbm4b:s5+s2], $0x80, v4, vm0, $0xb8;
	[tilespmem:$0x18080] =	vst v63  }
0x85: {  	_ = 	snop  }
0x86: {  	[tilespmem:s10], [sflag:$0x1] =	stream.indirect_vreg.gather [hbm4b:s3+s2], $0x80, v3, vm0, $0xb8;
	[tilespmem:$0x18080] =	vst v63  }
0x87: {  	_ = 	snop  }
0x88: {  	[tilespmem:s11], [sflag:$0x1] =	stream.indirect_vreg.gather [hbm4b:s4+s2], $0x80, v3, vm0, $0xb8;
	[tilespmem:$0x18080] =	vst v63  }
0x89: {  	_ = 	snop  }
0x8a: {  	[tilespmem:s12], [sflag:$0x1] =	stream.indirect_vreg.gather [hbm4b:s5+s2], $0x80, v3, vm0, $0xb8;
	[tilespmem:$0x18080] =	vst v63  }
0x8b: {  	v3 =	vld [tilespmem:$0x50];
	_ =	sdelay $0x4  }
0x8c: {  	v61 =	vshrl.u32 v3, $0x3  }
0x8d: {  	v4 =	vmul.u32 $0x30, v61  }
0x8e: {  	v3 =	vand.u32 $0x7, v3  }
0x8f: {  	v3 =	vor.u32 v3, v4  }
0x90: {  	v4 =	vperm.xlane v3, v0;
	_ =	sdelay $0x1  }
0x91: {  	v4 =	vadd.s32 v1, v4;
	_ =	sdelay $0x3  }
0x92: {  	v3 =	vperm.xlane v3, v2  }
0x93: {  	[tilespmem:s13], [sflag:$0x1] =	stream.indirect_vreg.gather [hbm4b:s3+s2], $0x80, v4, vm0, $0xb8;
	[tilespmem:$0x18080] =	vst v63  }
0x94: {  	v3 =	vadd.s32 v1, v3  }
0x95: {  	[tilespmem:s14], [sflag:$0x1] =	stream.indirect_vreg.gather [hbm4b:s4+s2], $0x80, v4, vm0, $0xb8;
	[tilespmem:$0x18080] =	vst v63  }
0x96: {  	_ = 	snop  }
0x97: {  	[tilespmem:s15], [sflag:$0x1] =	stream.indirect_vreg.gather [hbm4b:s5+s2], $0x80, v4, vm0, $0xb8;
	[tilespmem:$0x18080] =	vst v63  }
0x98: {  	_ = 	snop  }
0x99: {  	[tilespmem:s16], [sflag:$0x1] =	stream.indirect_vreg.gather [hbm4b:s3+s2], $0x80, v3, vm0, $0xb8;
	[tilespmem:$0x18080] =	vst v63  }
0x9a: {  	_ = 	snop  }
0x9b: {  	[tilespmem:s17], [sflag:$0x1] =	stream.indirect_vreg.gather [hbm4b:s4+s2], $0x80, v3, vm0, $0xb8;
	[tilespmem:$0x18080] =	vst v63  }
0x9c: {  	_ = 	snop  }
0x9d: {  	[tilespmem:s18], [sflag:$0x1] =	stream.indirect_vreg.gather [hbm4b:s5+s2], $0x80, v3, vm0, $0xb8;
	[tilespmem:$0x18080] =	vst v63  }
0x9e: {  	v3 =	vld [tilespmem:$0x60];
	_ =	sdelay $0x4  }
0x9f: {  	v62 =	vshrl.u32 v3, $0x3  }
0xa0: {  	v4 =	vmul.u32 $0x30, v62  }
0xa1: {  	v3 =	vand.u32 $0x7, v3  }
0xa2: {  	v3 =	vor.u32 v3, v4  }
0xa3: {  	v4 =	vperm.xlane v3, v0;
	_ =	sdelay $0x1  }
0xa4: {  	v4 =	vadd.s32 v1, v4;
	_ =	sdelay $0x3  }
0xa5: {  	v3 =	vperm.xlane v3, v2  }
0xa6: {  	[tilespmem:s19], [sflag:$0x1] =	stream.indirect_vreg.gather [hbm4b:s3+s2], $0x80, v4, vm0, $0xb8;
	[tilespmem:$0x18080] =	vst v63  }
0xa7: {  	v3 =	vadd.s32 v1, v3  }
0xa8: {  	[tilespmem:s20], [sflag:$0x1] =	stream.indirect_vreg.gather [hbm4b:s4+s2], $0x80, v4, vm0, $0xb8;
	[tilespmem:$0x18080] =	vst v63  }
0xa9: {  	_ = 	snop  }
0xaa: {  	[tilespmem:s21], [sflag:$0x1] =	stream.indirect_vreg.gather [hbm4b:s5+s2], $0x80, v4, vm0, $0xb8;
	[tilespmem:$0x18080] =	vst v63  }
0xab: {  	_ = 	snop  }
0xac: {  	[tilespmem:s22], [sflag:$0x1] =	stream.indirect_vreg.gather [hbm4b:s3+s2], $0x80, v3, vm0, $0xb8;
	[tilespmem:$0x18080] =	vst v63  }
0xad: {  	_ = 	snop  }
0xae: {  	[tilespmem:s23], [sflag:$0x1] =	stream.indirect_vreg.gather [hbm4b:s4+s2], $0x80, v3, vm0, $0xb8;
	[tilespmem:$0x18080] =	vst v63  }
0xaf: {  	_ = 	snop  }
0xb0: {  	[tilespmem:s24], [sflag:$0x1] =	stream.indirect_vreg.gather [hbm4b:s5+s2], $0x80, v3, vm0, $0xb8;
	[tilespmem:$0x18080] =	vst v63  }
0xb1: {  	v3 =	vld [tilespmem:$0x70];
	_ =	sdelay $0x4  }
0xb2: {  	v63 =	vshrl.u32 v3, $0x3  }
0xb3: {  	v4 =	vmul.u32 $0x30, v63  }
0xb4: {  	v3 =	vand.u32 $0x7, v3  }
0xb5: {  	v3 =	vor.u32 v3, v4  }
0xb6: {  	v4 =	vperm.xlane v3, v0;
	_ =	sdelay $0x1  }
0xb7: {  	v4 =	vadd.s32 v1, v4;
	_ =	sdelay $0x3  }
0xb8: {  	v3 =	vperm.xlane v3, v2  }
0xb9: {  	[tilespmem:s25], [sflag:$0x1] =	stream.indirect_vreg.gather [hbm4b:s3+s2], $0x80, v4, vm0, $0xb8;
	[tilespmem:$0x18080] =	vst v63  }
0xba: {  	v3 =	vadd.s32 v1, v3  }
0xbb: {  	[tilespmem:s26], [sflag:$0x1] =	stream.indirect_vreg.gather [hbm4b:s4+s2], $0x80, v4, vm0, $0xb8;
	[tilespmem:$0x18080] =	vst v63  }
0xbc: {  	_ = 	snop  }
0xbd: {  	[tilespmem:s28], [sflag:$0x1] =	stream.indirect_vreg.gather [hbm4b:s5+s2], $0x80, v4, vm0, $0xb8;
	[tilespmem:$0x18080] =	vst v63  }
0xbe: {  	_ = 	snop  }
0xbf: {  	[tilespmem:s29], [sflag:$0x1] =	stream.indirect_vreg.gather [hbm4b:s3+s2], $0x80, v3, vm0, $0xb8;
	[tilespmem:$0x18080] =	vst v63  }
0xc0: {  	_ = 	snop  }
0xc1: {  	[tilespmem:s30], [sflag:$0x1] =	stream.indirect_vreg.gather [hbm4b:s4+s2], $0x80, v3, vm0, $0xb8;
	[tilespmem:$0x18080] =	vst v63  }
0xc2: {  	_ = 	snop  }
0xc3: {  	[tilespmem:s31], [sflag:$0x1] =	stream.indirect_vreg.gather [hbm4b:s5+s2], $0x80, v3, vm0, $0xb8;
	[tilespmem:$0x18080] =	vst v63  }
0xc4: {  	_ =	swait.ge [sflag:s1], $0x18000  }
0xc5: {  	p0 =	sne.s32 s6, $0x1;
	[sflag:s1] =	ssyncset.done $0x0  }
.Ltmp0:
0xc6: {  	s9 =	rddreg [dreg:$0x3];
	[sflag:s1] =	ssyncadd.s32 $0xFFFE8000;
	(pc) =	sbr.rel @p0 .LBB2_1-.Ltmp0, $4  }
0xc7: {  	[hbm4b:s9+s2] =	stream.linear.scatter [tilespmem:s8], [sflag:$0x2], $0x18000, $0x38;
	[tilespmem:$0x18080] =	vst v63  }
0xc8: {  	_ =	swait.ge [sflag:s7], $0x18000  }
0xc9: {  	[sflag:s7] =	ssyncset.done $0x0  }
0xca: {  	s6 =	sadd.s32 $0xFFFFFFFF, s6;
	[sflag:s7] =	ssyncadd.s32 $0xFFFE8000  }
0xcb: {  	_ =	sfence.sel $0x180000  }
0xcc: {  	[bflag:$0x0] =	sbarrier.arrive $0xFFFF  }
0xcd: {  	_ =	strace $0x9000004A  }
0xce: {  	s0 =	stileid.u32;
	[bflag:$0x2] =	sbarrier.arrive $0xFFFF  }
0xcf: {  	p0 =	sne.s32 s0, $0x0;
	s0 =	rddreg [dreg:$0x1]  }
0xd0: {  	s0 =	sadd.s32 @!p0 $0x100000, s0  }
0xd1: {  	[sflag:s0] =	ssyncadd.tile.s32 @!p0 $0x1;
	_ =	shalt  }
.Lfunc_end2:
_tile_overlayer_lowered:
.L_overlay_start_2:
0xd2: {  	(tag) =	ssettag $0x2  }
0xd3: {  	s0 =	rddreg [dreg:$0x0];
	s2 =	stileid.u32  }
0xd4: {  	s1 =	rddreg [dreg:$0x1];
	p0 =	sne.s32 s2, $0x0  }
0xd5: {  	s3 =	rddreg [dreg:$0x2];
	[bflag:$0x3] =	sbarrier.arrive $0xFFFF;
	s2 =	simm.s32 @!p0 $0x1C02  }
0xd6: {  	[timem:s3], [sflag:s2] =	dma.local @!p0 [hbm:s0], s1  }
0xd7: {  	s0 =	simm.s32 @!p0 $0x2  }
0xd8: {  	_ =	swait.ge @!p0 [sflag:s0], s1  }
0xd9: {  	s1 =	ssub.s32 @!p0 $0x0, s1;
	[sflag:s0] =	ssyncset.done @!p0 $0x0  }
0xda: {  	[sflag:s0] =	ssyncadd.s32 @!p0 s1  }
0xdb: {  	[bflag:$0x3] =	sbarrier.arrive $0xFFFF  }
0xdc: {  	_ =	shalt  }

// kernel: kernel.7.cloned.1.call-start
scs
__scs_entry_jumppad:
0x0: {  	(pc) =	sbr.rel $0x88, $3  }
0x1: {  	(tag) =	ssettag $0x0;
	lr =	simm.s32 $0x1  }
0x2: {  	[smem:$0x3F9B] =	sst lr;
	_ =	strace $0xD0000000  }
0x3: {  	_ = 	snop  }
0x4: {  	_ = 	snop  }
0x5: {  	_ = 	snop  }
0x6: {  	_ = 	snop  }
0x7: {  	_ = 	snop  }
__scs_overlays_trampoline_lowered:
0x8: {  	[smem:$0x3FAA] =	sst s0  }
0x9: {  	[smem:$0x3FAB] =	sst s1  }
0xa: {  	[smem:$0x3FAC] =	sst s2  }
0xb: {  	[smem:$0x3FAD] =	sst s3  }
0xc: {  	[smem:$0x3FAE] =	sst s4  }
0xd: {  	[smem:$0x3FAF] =	sst s5  }
0xe: {  	[smem:$0x3FB0] =	sst s6  }
0xf: {  	[smem:$0x3FB1] =	sst s7  }
0x10: {  	[smem:$0x3FB2] =	sst s8  }
0x11: {  	[smem:$0x3FB3] =	sst s9;
	s0 =	simm.s32 @!p0 $0x0  }
0x12: {  	s1 =	sld [smem:$0x3F99];
	s0 =	simm.s32 @p0 $0x1  }
0x13: {  	[smem:$0x3FB4] =	sst s0;
	s0 =	simm.s32 @!p1 $0x0  }
0x14: {  	s2 =	sld [smem:$0x3F98];
	s0 =	simm.s32 @p1 $0x1  }
0x15: {  	[smem:$0x3FB5] =	sst s0;
	s0 =	simm.s32 @!p2 $0x0  }
0x16: {  	s3 =	sld [smem:$0x3FDB];
	s0 =	simm.s32 @p2 $0x1  }
0x17: {  	s4 =	simm.s32 $0x1BF5;
	[smem:$0x3FB7] =	sst s0  }
0x18: {  	s0 =	sld [smem:$0x3F9A];
	_ =	swait.ge [sflag:s4], $0x0  }
0x19: {  	s7 =	sld [smem:$0x3F9B]  }
0x1a: {  	s8 =	sadd.s32 $0xFFFFE003, lr  }
0x1b: {  	s9 =	sadd.s32 $0xFFFFFEF7, lr;
	s5 =	simm.s32 $0xFFFFFFFF;
	p2 =	slt.u32 s8, $0xFFFFF086  }
0x1c: {  	p1 =	slt.u32 s9, $0xF7A;
	s5 =	simm.s32 @!p2 $0x0  }
0x1d: {  	s5 =	simm.s32 @p1 $0x1;
	p0 =	seq.s32 s7, s2  }
0x1e: {  	s7 =	smul.u32 @!p0 $0xF7A, s2;
	p2 =	seq.s32 @!p0 s5, $0x0  }
0x1f: {  	s9 =	smul.u32 $0xF7A, s1;
	s8 =	simm.s32 @!p0 $0x1BF5;
	p2 =	por !p2, p0  }
0x20: {  	[sflag:s8] =	ssyncset.s32 @!p0 $0xFFFFF086;
	s6 =	sadd.s32 @!p0 s3, s7;
	s7 =	simm.s32 @!p0 $0x108  }
0x21: {  	s3 =	sadd.s32 s3, s9;
	s6 =	sadd.s32 @!p0 $0x88, s6;
	s7 =	simm.s32 @p2 $0x1082  }
0x22: {  	[simem:s7], [sflag:s8] =	dma.local @!p0 [hbm:s6], $0xF7A  }
0x23: {  	s9 =	sor.u32 $0xD0000000, s2;
	s6 =	simm.s32 $0x108;
	_ =	swait.ge @!p0 [sflag:s8], $0x0  }
0x24: {  	s3 =	sadd.s32 $0x88, s3;
	s6 =	simm.s32 @!p1 $0x1082;
	[sflag:s4] =	ssyncset.s32 $0xFFFFF086  }
0x25: {  	[simem:s6], [sflag:s4] =	dma.local [hbm:s3], $0xF7A  }
0x26: {  	[smem:$0x3F9B] =	sst s1;
	(tag) =	ssettag s2;
	_ =	strace s9  }
0x27: {  	s1 =	sld [smem:$0x3FAB]  }
0x28: {  	s2 =	sld [smem:$0x3FAC]  }
0x29: {  	s4 =	sld [smem:$0x3FAE]  }
0x2a: {  	p0 =	seq.s32 s5, $0x0;
	s5 =	sld [smem:$0x3FAF]  }
0x2b: {  	s6 =	sld [smem:$0x3FB0]  }
0x2c: {  	s7 =	sld [smem:$0x3FB1]  }
0x2d: {  	s3 =	simm.s32 $0x108;
	s8 =	sld [smem:$0x3FB2]  }
0x2e: {  	s3 =	simm.s32 @!p0 $0x1082;
	s9 =	sld [smem:$0x3FB3]  }
0x2f: {  	lr =	sadd.s32 s0, s3;
	s0 =	sld [smem:$0x3FAA]  }
0x30: {  	s3 =	sld [smem:$0x3FAD]  }
0x31: {  	[smem:$0x3FB6] =	sst s10  }
0x32: {  	s10 =	sld [smem:$0x3FB4];
	_ =	sdelay $0x3  }
0x33: {  	p0 =	seq.s32 s10, $0x1;
	s10 =	sld [smem:$0x3FB6];
	_ =	sdelay $0x3  }
0x34: {  	[smem:$0x3FB6] =	sst s10  }
0x35: {  	s10 =	sld [smem:$0x3FB5];
	_ =	sdelay $0x3  }
0x36: {  	p1 =	seq.s32 s10, $0x1;
	s10 =	sld [smem:$0x3FB6];
	_ =	sdelay $0x3  }
0x37: {  	[smem:$0x3FB6] =	sst s10  }
0x38: {  	s10 =	sld [smem:$0x3FB7]  }
0x39: {  	_ = 	snop;
	(pc) =	sbr.ind lr, $3  }
0x3a: {  	_ = 	snop  }
0x3b: {  	_ = 	snop  }
0x3c: {  	p2 =	seq.s32 s10, $0x1;
	s10 =	sld [smem:$0x3FB6]  }
0x3d: {  	_ =	shalt  }
0x3e: {  	_ =	shalt  }
0x3f: {  	_ =	shalt  }
0x40: {  	_ =	shalt  }
0x41: {  	_ =	shalt  }
0x42: {  	_ =	shalt  }
0x43: {  	_ =	shalt  }
0x44: {  	_ =	shalt  }
0x45: {  	_ =	shalt  }
0x46: {  	_ =	shalt  }
0x47: {  	_ =	shalt  }
0x48: {  	_ =	shalt  }
0x49: {  	_ =	shalt  }
0x4a: {  	_ =	shalt  }
0x4b: {  	_ =	shalt  }
0x4c: {  	_ =	shalt  }
0x4d: {  	_ =	shalt  }
0x4e: {  	_ =	shalt  }
0x4f: {  	_ =	shalt  }
0x50: {  	_ =	shalt  }
0x51: {  	_ =	shalt  }
0x52: {  	_ =	shalt  }
0x53: {  	_ =	shalt  }
0x54: {  	_ =	shalt  }
0x55: {  	_ =	shalt  }
0x56: {  	_ =	shalt  }
0x57: {  	_ =	shalt  }
0x58: {  	_ =	shalt  }
0x59: {  	_ =	shalt  }
0x5a: {  	_ =	shalt  }
0x5b: {  	_ =	shalt  }
0x5c: {  	_ =	shalt  }
0x5d: {  	_ =	shalt  }
0x5e: {  	_ =	shalt  }
0x5f: {  	_ =	shalt  }
0x60: {  	_ =	shalt  }
0x61: {  	_ =	shalt  }
0x62: {  	_ =	shalt  }
0x63: {  	_ =	shalt  }
0x64: {  	_ =	shalt  }
0x65: {  	_ =	shalt  }
0x66: {  	_ =	shalt  }
0x67: {  	_ =	shalt  }
0x68: {  	_ =	shalt  }
0x69: {  	_ =	shalt  }
0x6a: {  	_ =	shalt  }
0x6b: {  	_ =	shalt  }
0x6c: {  	_ =	shalt  }
0x6d: {  	_ =	shalt  }
0x6e: {  	_ =	shalt  }
0x6f: {  	_ =	shalt  }
0x70: {  	_ =	shalt  }
0x71: {  	_ =	shalt  }
0x72: {  	_ =	shalt  }
0x73: {  	_ =	shalt  }
0x74: {  	_ =	shalt  }
0x75: {  	_ =	shalt  }
0x76: {  	_ =	shalt  }
0x77: {  	_ =	shalt  }
0x78: {  	_ =	shalt  }
0x79: {  	_ =	shalt  }
0x7a: {  	_ =	shalt  }
0x7b: {  	_ =	shalt  }
0x7c: {  	_ =	shalt  }
0x7d: {  	_ =	shalt  }
0x7e: {  	_ =	shalt  }
0x7f: {  	_ =	shalt  }
0x80: {  	_ =	shalt  }
0x81: {  	_ =	shalt  }
0x82: {  	_ =	shalt  }
0x83: {  	_ =	shalt  }
0x84: {  	_ =	shalt  }
0x85: {  	_ =	shalt  }
0x86: {  	_ =	shalt  }
0x87: {  	_ =	shalt  }
.Lfunc_end0:
.L_simem_size_0:
called_computation_lowered:
.L_overlay_start_0:
0x88: {  	s2 =	sld [smem:$0x3FD9]  }
0x89: {  	s3 =	sld [smem:$0x3FFE];
	_ =	sdelay $0x1  }
0x8a: {  	s1 =	srdreg.scid  }
0x8b: {  	s0 =	sand.u32 $0x1, s1  }
0x8c: {  	s17 =	sshll.u32 s0, $0xA;
	s2 =	sadd.s32 s3, s2  }
0x8d: {  	s2 =	sadd.s32 s2, s17  }
0x8e: {  	[smem:$0x3FC2] =	sst s2  }
0x8f: {  	_ = 	snop  }
0x90: {  	s2 =	sld [smem:$0x3FC9];
	(tm) =	ssettm $0x1  }
0x91: {  	s18 =	sld [smem:$0x3FFB];
	_ =	sdelay $0x3  }
0x92: {  	_ =	strace s18  }
0x93: {  	s3 =	sld [smem:$0x3FFC];
	_ =	sdelay $0x3  }
0x94: {  	_ =	strace s3  }
0x95: {  	s3 =	sld [smem:$0x3FFD];
	_ =	sdelay $0x3  }
0x96: {  	_ =	strace s3  }
0x97: {  	_ =	strace $0x8FFFFFFF  }
0x98: {  	s19 =	sld [smem:$0x3FDB];
	_ =	sdelay $0x1  }
0x99: {  	s4 =	simm.s32 $_scs_section_size  }
0x9a: {  	s5 =	simm.s32 $_size__tile_overlayer_lowered;
	s6 =	simm.s32 $_tile_overlayer_lowered  }
0x9b: {  	s22 =	simm.s32 $0x1BFF;
	s21 =	sshll.u32 s6, $0x1;
	s3 =	sadd.s32 s4, s19  }
0x9c: {  	s7 =	simm.s32 $0x0;
	s20 =	sshll.u32 s5, $0x1;
	s5 =	sadd.s32 s21, s3  }
0x9d: {  	[timem:s7], [sflag:s22] =	dma.local [hbm:s5], s20  }
0x9e: {  	_ =	swait.ge [sflag:s22], s20  }
0x9f: {  	s4 =	ssub.s32 $0x0, s20;
	[sflag:s22] =	ssyncset.done $0x0  }
0xa0: {  	[sflag:s22] =	ssyncadd.s32 s4;
	_ =	sdelay $0x1  }
0xa1: {  	s23 =	simm.s32 $0x1B8B  }
0xa2: {  	_ =	swait.ge [sflag:s23], $0x1  }
0xa3: {  	[sflag:s23] =	ssyncset.done $0x0  }
0xa4: {  	s25 =	simm.s32 $0x1B8E;
	s24 =	sld [smem:$0x3FFE];
	[sflag:s23] =	ssyncadd.s32 $0xFFFFFFFF  }
0xa5: {  	s26 =	simm.s32 $execute0_lowered;
	[smem:$0x3FD2] =	sst s25  }
0xa6: {  	s5 =	sshll.u32 s26, $0x1;
	_ =	strace $0x80000046;
	[dreg:$0x1] =	wrdreg $0xFFFFFFFF  }
0xa7: {  	s28 =	simm.s32 $_size_execute0_lowered;
	s3 =	sadd.s32 s3, s5;
	[dreg:$0x0] =	wrdreg $0x0  }
0xa8: {  	s5 =	sshll.u32 s28, $0x1;
	[dreg:$0x2] =	wrdreg s3  }
0xa9: {  	[dreg:$0x3] =	wrdreg s5  }
0xaa: {  	[dreg:$0x4] =	wrdreg $0xC0  }
0xab: {  	_ =	task [dreg:s7], $0x5FFFF  }
0xac: {  	[dreg:$0x1] =	wrdreg $0xFFFFFFFF  }
0xad: {  	[dreg:$0x0] =	wrdreg $0x60  }
0xae: {  	[dreg:$0x2] =	wrdreg s2  }
0xaf: {  	[dreg:$0x3] =	wrdreg s24  }
0xb0: {  	[dreg:$0x4] =	wrdreg $0x9  }
0xb1: {  	_ =	task.clear_ibuf [dreg:s7], $0x5FFFF;
	_ =	strace $0x90000046  }
0xb2: {  	s29 =	simm.s32 $0x9;
	_ =	strace $0x80000048  }
0xb3: {  	_ =	swait.ge [sflag:s29], $0x1  }
0xb4: {  	[sflag:s29] =	ssyncadd.s32 $0xFFFFFFFF  }
0xb5: {  	_ =	strace $0x90000048  }
0xb6: {  	_ =	sfence  }
0xb7: {  	s30 =	sld [smem:$0x0];
	_ =	sdelay $0x2  }
0xb8: {  	s31 =	sshll.u32 s1, $0xD;
	s1 =	sshrl.u32 s1, $0x2  }
0xb9: {  	s3 =	sand.u32 $0x4000, s31;
	s1 =	sadd.s32 s1, s30  }
0xba: {  	s0 =	sor.u32 s3, s0;
	s1 =	sshll.u32 s1, $0x11  }
0xbb: {  	s0 =	sor.u32 s1, s0  }
0xbc: {  	s0 =	sadd.s32 $0x8F2B, s0  }
0xbd: {  	[sflag:s0] =	ssyncadd.remote.s32 $0x1  }
0xbe: {  	_ =	sfence.sel $0xFFFF  }
0xbf: {  	[dreg:$0x0] =	wrdreg $0xFFFFFFFF;
	(pc) =	sbr.abs _section_cstart, $3  }
0xc0: {  	[dreg:$0x1] =	wrdreg $0xFFFFFFFF  }
0xc1: {  	_ =	task.clear_ibuf [dreg:s7], $0x2FFFF;
	_ =	strace $0x9FFFFFFF  }
0xc2: {  	(tm) =	ssettm $0x7FFFFFFF  }
0xc3: {  	_ =	shalt  }
tec
execute0_lowered:
.L_overlay_start_1:
0x0: {  	(tag) =	ssettag $0x1  }
0x1: {  	s3 =	rddreg [dreg:$0x0]  }
0x2: {  	s5 =	rddreg [dreg:$0x1];
	s2 =	simm.s32 $0x0  }
0x3: {  	s0 =	stileid.u32;
	s25 =	simm.s32 $0x880;
	[smem:$0x7FF] =	sst s2  }
0x4: {  	s26 =	simm.s32 $0x1080;
	_ =	strace $0x80000047;
	[dreg:$0x5] =	wrdreg s25  }
0x5: {  	s4 =	sshll.u32 s0, $0x5;
	s0 =	simm.s32 $0x1880;
	[dreg:$0x6] =	wrdreg s26  }
0x6: {  	s7 =	simm.s32 $0x3080;
	[dreg:$0x7] =	wrdreg s0  }
0x7: {  	s8 =	simm.s32 $0x3880;
	[dreg:$0xa] =	wrdreg s7  }
0x8: {  	s9 =	simm.s32 $0x4080;
	[dreg:$0xb] =	wrdreg s8  }
0x9: {  	s10 =	simm.s32 $0x4880;
	[dreg:$0xc] =	wrdreg s9  }
0xa: {  	s11 =	simm.s32 $0x5080;
	[dreg:$0xd] =	wrdreg s10  }
0xb: {  	s12 =	simm.s32 $0x5880;
	[dreg:$0xe] =	wrdreg s11  }
0xc: {  	s13 =	simm.s32 $0x6080;
	[dreg:$0xf] =	wrdreg s12  }
0xd: {  	s14 =	simm.s32 $0x6880;
	[dreg:$0x10] =	wrdreg s13  }
0xe: {  	s15 =	simm.s32 $0x7080;
	[dreg:$0x11] =	wrdreg s14  }
0xf: {  	s16 =	simm.s32 $0x7880;
	[dreg:$0x12] =	wrdreg s15  }
0x10: {  	s1 =	srdreg.scid;
	s17 =	simm.s32 $0x8080;
	[dreg:$0x13] =	wrdreg s16  }
0x11: {  	s18 =	simm.s32 $0x8880;
	s19 =	simm.s32 $0x9080;
	[dreg:$0x14] =	wrdreg s17  }
0x12: {  	s21 =	simm.s32 $0x9880;
	s22 =	simm.s32 $0xA080;
	[dreg:$0x15] =	wrdreg s18  }
0x13: {  	s23 =	simm.s32 $0xA880;
	s24 =	simm.s32 $0xB880;
	[dreg:$0x16] =	wrdreg s19  }
0x14: {  	s28 =	simm.s32 $0x16080;
	s29 =	simm.s32 $0x16880;
	[dreg:$0x17] =	wrdreg s21  }
0x15: {  	s30 =	simm.s32 $0x17080;
	s1 =	sand.u32 $0x1, s1;
	[dreg:$0x18] =	wrdreg s22  }
0x16: {  	s31 =	simm.s32 $0x17880;
	s6 =	sshll.u32 s1, $0x4;
	[dreg:$0x19] =	wrdreg s23  }
0x17: {  	s1 =	ssub.s32 $0x2, s1;
	s7 =	simm.s32 $0xB080;
	[dreg:$0x1b] =	wrdreg s24  }
0x18: {  	s25 =	simm.s32 $0xC080;
	s8 =	simm.s32 $0x80;
	s26 =	simm.s32 $0xC880  }
0x19: {  	s10 =	simm.s32 $0xD880;
	s11 =	simm.s32 $0xE080;
	s12 =	simm.s32 $0xE880  }
0x1a: {  	s13 =	simm.s32 $0xF080;
	s14 =	simm.s32 $0xF880;
	s15 =	simm.s32 $0x10080  }
0x1b: {  	s16 =	simm.s32 $0x10880;
	s17 =	simm.s32 $0x11080;
	s18 =	simm.s32 $0x11880  }
0x1c: {  	s19 =	simm.s32 $0x12080;
	s21 =	simm.s32 $0x13080;
	s22 =	simm.s32 $0x13880  }
0x1d: {  	s23 =	simm.s32 $0x14080;
	s24 =	simm.s32 $0x14880;
	s4 =	sor.u32 s6, s4  }
0x1e: {  	s20 =	sshrl.u32 s1, $0x1;
	[dreg:$0x1a] =	wrdreg s7;
	s7 =	simm.s32 $0x2  }
0x1f: {  	[dreg:$0x1c] =	wrdreg s25;
	s6 =	sadd.s32 s4, s5;
	s4 =	smul.u32 $0x300, s4  }
0x20: {  	[dreg:$0x1d] =	wrdreg s26;
	s25 =	simm.s32 $0x15080;
	s6 =	sadd.s32 $0xC00, s6  }
0x21: {  	s26 =	simm.s32 $0x15880;
	[dreg:$0x3] =	wrdreg s6;
	s3 =	sadd.s32 s3, s4  }
0x22: {  	s1 =	ssub.s32 s1, s20;
	s4 =	simm.s32 $0x2080;
	[dreg:$0x4] =	wrdreg s3  }
0x23: {  	v2 =	vlaneseq.u32;
	s20 =	simm.s32 $0x12880;
	s6 =	simm.s32 $0x2880;
	[dreg:$0x8] =	wrdreg s4  }
0x24: {  	vm0 =	vmmov $0xffff;
	v1 =	vshrl.u32 v2, $0x3;
	[dreg:$0x9] =	wrdreg s6;
	s3 =	sadd.s32 $0xE00, s5;
	s4 =	sadd.s32 $0xF00, s5  }
0x25: {  	v0 =	vand.u32 $0x7, v2;
	v2 =	vor.u32 $0x8, v2;
	v1 =	vmul.u32 $0x8, v1;
	s5 =	sadd.s32 $0x1000, s5;
	s6 =	smax.u32 s1, $0x1;
	s1 =	simm.s32 $0x1  }
.LBB2_1:
0x26: {  	s0 =	rddreg [dreg:$0x3]  }
0x27: {  	[tilespmem:s2], [sflag:$0x2] =	stream.linear.gather [hbm4b:s0+s2], $0x80, $0x38;
	[tilespmem:$0x18080] =	vst v63  }
0x28: {  	_ =	swait.ge [sflag:s7], $0x80  }
0x29: {  	[sflag:s7] =	ssyncset.done $0x0  }
0x2a: {  	s9 =	rddreg [dreg:$0x4];
	[sflag:s7] =	ssyncadd.s32 $0xFFFFFF80  }
0x2b: {  	[tilespmem:s8], [sflag:$0x2] =	stream.linear.gather [hbm4b:s9+s2], $0x18000, $0x38;
	[tilespmem:$0x18080] =	vst v63  }
0x2c: {  	_ =	swait.ge [sflag:s7], $0x18000  }
0x2d: {  	[sflag:s7] =	ssyncset.done $0x0  }
0x2e: {  	[sflag:s7] =	ssyncadd.s32 $0xFFFE8000  }
0x2f: {  	v3 =	vld [tilespmem:$0x0];
	_ =	sdelay $0x4  }
0x30: {  	v4 =	vshrl.u32 v3, $0x3  }
0x31: {  	v4 =	vmul.u32 $0x30, v4  }
0x32: {  	v3 =	vand.u32 $0x7, v3  }
0x33: {  	v3 =	vor.u32 v3, v4  }
0x34: {  	v4 =	vperm.xlane v3, v0;
	_ =	sdelay $0x1  }
0x35: {  	v4 =	vadd.s32 v1, v4;
	_ =	sdelay $0x3  }
0x36: {  	v3 =	vperm.xlane v3, v2  }
0x37: {  	[hbm4b:s3+s2] =	stream.indirect_vreg.scatter [tilespmem:s8], [sflag:$0x1], $0x80, v4, vm0, $0xb8;
	[tilespmem:$0x18080] =	vst v63  }
0x38: {  	s0 =	rddreg [dreg:$0x5];
	v3 =	vadd.s32 v1, v3  }
0x39: {  	[hbm4b:s4+s2] =	stream.indirect_vreg.scatter [tilespmem:s0], [sflag:$0x1], $0x80, v4, vm0, $0xb8;
	[tilespmem:$0x18080] =	vst v63  }
0x3a: {  	s9 =	rddreg [dreg:$0x6]  }
0x3b: {  	[hbm4b:s5+s2] =	stream.indirect_vreg.scatter [tilespmem:s9], [sflag:$0x1], $0x80, v4, vm0, $0xb8;
	[tilespmem:$0x18080] =	vst v63  }
0x3c: {  	s0 =	rddreg [dreg:$0x7]  }
0x3d: {  	[hbm4b:s3+s2] =	stream.indirect_vreg.scatter [tilespmem:s0], [sflag:$0x1], $0x80, v3, vm0, $0xb8;
	[tilespmem:$0x18080] =	vst v63  }
0x3e: {  	s9 =	rddreg [dreg:$0x8]  }
0x3f: {  	[hbm4b:s4+s2] =	stream.indirect_vreg.scatter [tilespmem:s9], [sflag:$0x1], $0x80, v3, vm0, $0xb8;
	[tilespmem:$0x18080] =	vst v63  }
0x40: {  	s0 =	rddreg [dreg:$0x9]  }
0x41: {  	[hbm4b:s5+s2] =	stream.indirect_vreg.scatter [tilespmem:s0], [sflag:$0x1], $0x80, v3, vm0, $0xb8;
	[tilespmem:$0x18080] =	vst v63  }
0x42: {  	v3 =	vld [tilespmem:$0x10];
	_ =	sdelay $0x4  }
0x43: {  	v57 =	vshrl.u32 v3, $0x3  }
0x44: {  	v4 =	vmul.u32 $0x30, v57  }
0x45: {  	v3 =	vand.u32 $0x7, v3  }
0x46: {  	v3 =	vor.u32 v3, v4  }
0x47: {  	v4 =	vperm.xlane v3, v0;
	_ =	sdelay $0x1  }
0x48: {  	v4 =	vadd.s32 v1, v4;
	_ =	sdelay $0x3  }
0x49: {  	s0 =	rddreg [dreg:$0xa];
	v3 =	vperm.xlane v3, v2  }
0x4a: {  	[hbm4b:s3+s2] =	stream.indirect_vreg.scatter [tilespmem:s0], [sflag:$0x1], $0x80, v4, vm0, $0xb8;
	[tilespmem:$0x18080] =	vst v63  }
0x4b: {  	s9 =	rddreg [dreg:$0xb];
	v3 =	vadd.s32 v1, v3  }
0x4c: {  	[hbm4b:s4+s2] =	stream.indirect_vreg.scatter [tilespmem:s9], [sflag:$0x1], $0x80, v4, vm0, $0xb8;
	[tilespmem:$0x18080] =	vst v63  }
0x4d: {  	s0 =	rddreg [dreg:$0xc]  }
0x4e: {  	[hbm4b:s5+s2] =	stream.indirect_vreg.scatter [tilespmem:s0], [sflag:$0x1], $0x80, v4, vm0, $0xb8;
	[tilespmem:$0x18080] =	vst v63  }
0x4f: {  	s9 =	rddreg [dreg:$0xd]  }
0x50: {  	[hbm4b:s3+s2] =	stream.indirect_vreg.scatter [tilespmem:s9], [sflag:$0x1], $0x80, v3, vm0, $0xb8;
	[tilespmem:$0x18080] =	vst v63  }
0x51: {  	s0 =	rddreg [dreg:$0xe]  }
0x52: {  	[hbm4b:s4+s2] =	stream.indirect_vreg.scatter [tilespmem:s0], [sflag:$0x1], $0x80, v3, vm0, $0xb8;
	[tilespmem:$0x18080] =	vst v63  }
0x53: {  	s9 =	rddreg [dreg:$0xf]  }
0x54: {  	[hbm4b:s5+s2] =	stream.indirect_vreg.scatter [tilespmem:s9], [sflag:$0x1], $0x80, v3, vm0, $0xb8;
	[tilespmem:$0x18080] =	vst v63  }
0x55: {  	v3 =	vld [tilespmem:$0x20];
	_ =	sdelay $0x4  }
0x56: {  	v58 =	vshrl.u32 v3, $0x3  }
0x57: {  	v4 =	vmul.u32 $0x30, v58  }
0x58: {  	v3 =	vand.u32 $0x7, v3  }
0x59: {  	v3 =	vor.u32 v3, v4  }
0x5a: {  	v4 =	vperm.xlane v3, v0;
	_ =	sdelay $0x1  }
0x5b: {  	v4 =	vadd.s32 v1, v4;
	_ =	sdelay $0x3  }
0x5c: {  	s0 =	rddreg [dreg:$0x10];
	v3 =	vperm.xlane v3, v2  }
0x5d: {  	[hbm4b:s3+s2] =	stream.indirect_vreg.scatter [tilespmem:s0], [sflag:$0x1], $0x80, v4, vm0, $0xb8;
	[tilespmem:$0x18080] =	vst v63  }
0x5e: {  	s9 =	rddreg [dreg:$0x11];
	v3 =	vadd.s32 v1, v3  }
0x5f: {  	[hbm4b:s4+s2] =	stream.indirect_vreg.scatter [tilespmem:s9], [sflag:$0x1], $0x80, v4, vm0, $0xb8;
	[tilespmem:$0x18080] =	vst v63  }
0x60: {  	s0 =	rddreg [dreg:$0x12]  }
0x61: {  	[hbm4b:s5+s2] =	stream.indirect_vreg.scatter [tilespmem:s0], [sflag:$0x1], $0x80, v4, vm0, $0xb8;
	[tilespmem:$0x18080] =	vst v63  }
0x62: {  	s9 =	rddreg [dreg:$0x13]  }
0x63: {  	[hbm4b:s3+s2] =	stream.indirect_vreg.scatter [tilespmem:s9], [sflag:$0x1], $0x80, v3, vm0, $0xb8;
	[tilespmem:$0x18080] =	vst v63  }
0x64: {  	s0 =	rddreg [dreg:$0x14]  }
0x65: {  	[hbm4b:s4+s2] =	stream.indirect_vreg.scatter [tilespmem:s0], [sflag:$0x1], $0x80, v3, vm0, $0xb8;
	[tilespmem:$0x18080] =	vst v63  }
0x66: {  	s9 =	rddreg [dreg:$0x15]  }
0x67: {  	[hbm4b:s5+s2] =	stream.indirect_vreg.scatter [tilespmem:s9], [sflag:$0x1], $0x80, v3, vm0, $0xb8;
	[tilespmem:$0x18080] =	vst v63  }
0x68: {  	v3 =	vld [tilespmem:$0x30];
	_ =	sdelay $0x4  }
0x69: {  	v59 =	vshrl.u32 v3, $0x3  }
0x6a: {  	v4 =	vmul.u32 $0x30, v59  }
0x6b: {  	v3 =	vand.u32 $0x7, v3  }
0x6c: {  	v3 =	vor.u32 v3, v4  }
0x6d: {  	v4 =	vperm.xlane v3, v0;
	_ =	sdelay $0x1  }
0x6e: {  	v4 =	vadd.s32 v1, v4;
	_ =	sdelay $0x3  }
0x6f: {  	s0 =	rddreg [dreg:$0x16];
	v3 =	vperm.xlane v3, v2  }
0x70: {  	[hbm4b:s3+s2] =	stream.indirect_vreg.scatter [tilespmem:s0], [sflag:$0x1], $0x80, v4, vm0, $0xb8;
	[tilespmem:$0x18080] =	vst v63  }
0x71: {  	s9 =	rddreg [dreg:$0x17];
	v3 =	vadd.s32 v1, v3  }
0x72: {  	[hbm4b:s4+s2] =	stream.indirect_vreg.scatter [tilespmem:s9], [sflag:$0x1], $0x80, v4, vm0, $0xb8;
	[tilespmem:$0x18080] =	vst v63  }
0x73: {  	s0 =	rddreg [dreg:$0x18]  }
0x74: {  	[hbm4b:s5+s2] =	stream.indirect_vreg.scatter [tilespmem:s0], [sflag:$0x1], $0x80, v4, vm0, $0xb8;
	[tilespmem:$0x18080] =	vst v63  }
0x75: {  	s9 =	rddreg [dreg:$0x19]  }
0x76: {  	[hbm4b:s3+s2] =	stream.indirect_vreg.scatter [tilespmem:s9], [sflag:$0x1], $0x80, v3, vm0, $0xb8;
	[tilespmem:$0x18080] =	vst v63  }
0x77: {  	s0 =	rddreg [dreg:$0x1a]  }
0x78: {  	[hbm4b:s4+s2] =	stream.indirect_vreg.scatter [tilespmem:s0], [sflag:$0x1], $0x80, v3, vm0, $0xb8;
	[tilespmem:$0x18080] =	vst v63  }
0x79: {  	s9 =	rddreg [dreg:$0x1b]  }
0x7a: {  	[hbm4b:s5+s2] =	stream.indirect_vreg.scatter [tilespmem:s9], [sflag:$0x1], $0x80, v3, vm0, $0xb8;
	[tilespmem:$0x18080] =	vst v63  }
0x7b: {  	v3 =	vld [tilespmem:$0x40];
	_ =	sdelay $0x4  }
0x7c: {  	v60 =	vshrl.u32 v3, $0x3  }
0x7d: {  	v4 =	vmul.u32 $0x30, v60  }
0x7e: {  	v3 =	vand.u32 $0x7, v3  }
0x7f: {  	v3 =	vor.u32 v3, v4  }
0x80: {  	v4 =	vperm.xlane v3, v0;
	_ =	sdelay $0x1  }
0x81: {  	v4 =	vadd.s32 v1, v4;
	_ =	sdelay $0x3  }
0x82: {  	s0 =	rddreg [dreg:$0x1c];
	v3 =	vperm.xlane v3, v2  }
0x83: {  	[hbm4b:s3+s2] =	stream.indirect_vreg.scatter [tilespmem:s0], [sflag:$0x1], $0x80, v4, vm0, $0xb8;
	[tilespmem:$0x18080] =	vst v63  }
0x84: {  	s9 =	rddreg [dreg:$0x1d];
	v3 =	vadd.s32 v1, v3  }
0x85: {  	[hbm4b:s4+s2] =	stream.indirect_vreg.scatter [tilespmem:s9], [sflag:$0x1], $0x80, v4, vm0, $0xb8;
	[tilespmem:$0x18080] =	vst v63  }
0x86: {  	s9 =	simm.s32 $0xD080  }
0x87: {  	[hbm4b:s5+s2] =	stream.indirect_vreg.scatter [tilespmem:s9], [sflag:$0x1], $0x80, v4, vm0, $0xb8;
	[tilespmem:$0x18080] =	vst v63  }
0x88: {  	_ = 	snop  }
0x89: {  	[hbm4b:s3+s2] =	stream.indirect_vreg.scatter [tilespmem:s10], [sflag:$0x1], $0x80, v3, vm0, $0xb8;
	[tilespmem:$0x18080] =	vst v63  }
0x8a: {  	_ = 	snop  }
0x8b: {  	[hbm4b:s4+s2] =	stream.indirect_vreg.scatter [tilespmem:s11], [sflag:$0x1], $0x80, v3, vm0, $0xb8;
	[tilespmem:$0x18080] =	vst v63  }
0x8c: {  	_ = 	snop  }
0x8d: {  	[hbm4b:s5+s2] =	stream.indirect_vreg.scatter [tilespmem:s12], [sflag:$0x1], $0x80, v3, vm0, $0xb8;
	[tilespmem:$0x18080] =	vst v63  }
0x8e: {  	v3 =	vld [tilespmem:$0x50];
	_ =	sdelay $0x4  }
0x8f: {  	v61 =	vshrl.u32 v3, $0x3  }
0x90: {  	v4 =	vmul.u32 $0x30, v61  }
0x91: {  	v3 =	vand.u32 $0x7, v3  }
0x92: {  	v3 =	vor.u32 v3, v4  }
0x93: {  	v4 =	vperm.xlane v3, v0;
	_ =	sdelay $0x1  }
0x94: {  	v4 =	vadd.s32 v1, v4;
	_ =	sdelay $0x3  }
0x95: {  	v3 =	vperm.xlane v3, v2  }
0x96: {  	[hbm4b:s3+s2] =	stream.indirect_vreg.scatter [tilespmem:s13], [sflag:$0x1], $0x80, v4, vm0, $0xb8;
	[tilespmem:$0x18080] =	vst v63  }
0x97: {  	v3 =	vadd.s32 v1, v3  }
0x98: {  	[hbm4b:s4+s2] =	stream.indirect_vreg.scatter [tilespmem:s14], [sflag:$0x1], $0x80, v4, vm0, $0xb8;
	[tilespmem:$0x18080] =	vst v63  }
0x99: {  	_ = 	snop  }
0x9a: {  	[hbm4b:s5+s2] =	stream.indirect_vreg.scatter [tilespmem:s15], [sflag:$0x1], $0x80, v4, vm0, $0xb8;
	[tilespmem:$0x18080] =	vst v63  }
0x9b: {  	_ = 	snop  }
0x9c: {  	[hbm4b:s3+s2] =	stream.indirect_vreg.scatter [tilespmem:s16], [sflag:$0x1], $0x80, v3, vm0, $0xb8;
	[tilespmem:$0x18080] =	vst v63  }
0x9d: {  	_ = 	snop  }
0x9e: {  	[hbm4b:s4+s2] =	stream.indirect_vreg.scatter [tilespmem:s17], [sflag:$0x1], $0x80, v3, vm0, $0xb8;
	[tilespmem:$0x18080] =	vst v63  }
0x9f: {  	_ = 	snop  }
0xa0: {  	[hbm4b:s5+s2] =	stream.indirect_vreg.scatter [tilespmem:s18], [sflag:$0x1], $0x80, v3, vm0, $0xb8;
	[tilespmem:$0x18080] =	vst v63  }
0xa1: {  	v3 =	vld [tilespmem:$0x60];
	_ =	sdelay $0x4  }
0xa2: {  	v62 =	vshrl.u32 v3, $0x3  }
0xa3: {  	v4 =	vmul.u32 $0x30, v62  }
0xa4: {  	v3 =	vand.u32 $0x7, v3  }
0xa5: {  	v3 =	vor.u32 v3, v4  }
0xa6: {  	v4 =	vperm.xlane v3, v0;
	_ =	sdelay $0x1  }
0xa7: {  	v4 =	vadd.s32 v1, v4;
	_ =	sdelay $0x3  }
0xa8: {  	v3 =	vperm.xlane v3, v2  }
0xa9: {  	[hbm4b:s3+s2] =	stream.indirect_vreg.scatter [tilespmem:s19], [sflag:$0x1], $0x80, v4, vm0, $0xb8;
	[tilespmem:$0x18080] =	vst v63  }
0xaa: {  	v3 =	vadd.s32 v1, v3  }
0xab: {  	[hbm4b:s4+s2] =	stream.indirect_vreg.scatter [tilespmem:s20], [sflag:$0x1], $0x80, v4, vm0, $0xb8;
	[tilespmem:$0x18080] =	vst v63  }
0xac: {  	_ = 	snop  }
0xad: {  	[hbm4b:s5+s2] =	stream.indirect_vreg.scatter [tilespmem:s21], [sflag:$0x1], $0x80, v4, vm0, $0xb8;
	[tilespmem:$0x18080] =	vst v63  }
0xae: {  	_ = 	snop  }
0xaf: {  	[hbm4b:s3+s2] =	stream.indirect_vreg.scatter [tilespmem:s22], [sflag:$0x1], $0x80, v3, vm0, $0xb8;
	[tilespmem:$0x18080] =	vst v63  }
0xb0: {  	_ = 	snop  }
0xb1: {  	[hbm4b:s4+s2] =	stream.indirect_vreg.scatter [tilespmem:s23], [sflag:$0x1], $0x80, v3, vm0, $0xb8;
	[tilespmem:$0x18080] =	vst v63  }
0xb2: {  	_ = 	snop  }
0xb3: {  	[hbm4b:s5+s2] =	stream.indirect_vreg.scatter [tilespmem:s24], [sflag:$0x1], $0x80, v3, vm0, $0xb8;
	[tilespmem:$0x18080] =	vst v63  }
0xb4: {  	v3 =	vld [tilespmem:$0x70];
	_ =	sdelay $0x4  }
0xb5: {  	v63 =	vshrl.u32 v3, $0x3  }
0xb6: {  	v4 =	vmul.u32 $0x30, v63  }
0xb7: {  	v3 =	vand.u32 $0x7, v3  }
0xb8: {  	v3 =	vor.u32 v3, v4  }
0xb9: {  	v4 =	vperm.xlane v3, v0;
	_ =	sdelay $0x1  }
0xba: {  	v4 =	vadd.s32 v1, v4;
	_ =	sdelay $0x3  }
0xbb: {  	v3 =	vperm.xlane v3, v2  }
0xbc: {  	[hbm4b:s3+s2] =	stream.indirect_vreg.scatter [tilespmem:s25], [sflag:$0x1], $0x80, v4, vm0, $0xb8;
	[tilespmem:$0x18080] =	vst v63  }
0xbd: {  	v3 =	vadd.s32 v1, v3  }
0xbe: {  	[hbm4b:s4+s2] =	stream.indirect_vreg.scatter [tilespmem:s26], [sflag:$0x1], $0x80, v4, vm0, $0xb8;
	[tilespmem:$0x18080] =	vst v63  }
0xbf: {  	_ = 	snop  }
0xc0: {  	[hbm4b:s5+s2] =	stream.indirect_vreg.scatter [tilespmem:s28], [sflag:$0x1], $0x80, v4, vm0, $0xb8;
	[tilespmem:$0x18080] =	vst v63  }
0xc1: {  	_ = 	snop  }
0xc2: {  	[hbm4b:s3+s2] =	stream.indirect_vreg.scatter [tilespmem:s29], [sflag:$0x1], $0x80, v3, vm0, $0xb8;
	[tilespmem:$0x18080] =	vst v63  }
0xc3: {  	p0 =	sne.s32 s6, $0x1  }
0xc4: {  	[hbm4b:s4+s2] =	stream.indirect_vreg.scatter [tilespmem:s30], [sflag:$0x1], $0x80, v3, vm0, $0xb8;
	[tilespmem:$0x18080] =	vst v63  }
.Ltmp0:
0xc5: {  	_ = 	snop;
	(pc) =	sbr.rel @p0 .LBB2_1-.Ltmp0, $4  }
0xc6: {  	[hbm4b:s5+s2] =	stream.indirect_vreg.scatter [tilespmem:s31], [sflag:$0x1], $0x80, v3, vm0, $0xb8;
	[tilespmem:$0x18080] =	vst v63  }
0xc7: {  	_ =	swait.ge [sflag:s1], $0x18000  }
0xc8: {  	[sflag:s1] =	ssyncset.done $0x0  }
0xc9: {  	s6 =	sadd.s32 $0xFFFFFFFF, s6;
	[sflag:s1] =	ssyncadd.s32 $0xFFFE8000  }
0xca: {  	_ =	sfence.sel $0x180000  }
0xcb: {  	[bflag:$0x0] =	sbarrier.arrive $0xFFFF  }
0xcc: {  	_ =	strace $0x90000047  }
0xcd: {  	s0 =	stileid.u32;
	[bflag:$0x2] =	sbarrier.arrive $0xFFFF  }
0xce: {  	p0 =	sne.s32 s0, $0x0;
	s0 =	rddreg [dreg:$0x2]  }
0xcf: {  	s0 =	sadd.s32 @!p0 $0x100000, s0  }
0xd0: {  	[sflag:s0] =	ssyncadd.tile.s32 @!p0 $0x1;
	_ =	shalt  }
.Lfunc_end2:
_tile_overlayer_lowered:
.L_overlay_start_2:
0xd1: {  	(tag) =	ssettag $0x2  }
0xd2: {  	s0 =	rddreg [dreg:$0x0];
	s2 =	stileid.u32  }
0xd3: {  	s1 =	rddreg [dreg:$0x1];
	p0 =	sne.s32 s2, $0x0  }
0xd4: {  	s3 =	rddreg [dreg:$0x2];
	[bflag:$0x3] =	sbarrier.arrive $0xFFFF;
	s2 =	simm.s32 @!p0 $0x1C02  }
0xd5: {  	[timem:s3], [sflag:s2] =	dma.local @!p0 [hbm:s0], s1  }
0xd6: {  	s0 =	simm.s32 @!p0 $0x2  }
0xd7: {  	_ =	swait.ge @!p0 [sflag:s0], s1  }
0xd8: {  	s1 =	ssub.s32 @!p0 $0x0, s1;
	[sflag:s0] =	ssyncset.done @!p0 $0x0  }
0xd9: {  	[sflag:s0] =	ssyncadd.s32 @!p0 s1  }
0xda: {  	[bflag:$0x3] =	sbarrier.arrive $0xFFFF  }
0xdb: {  	_ =	shalt  }

</sc_bundles>
